<compile_context>
chip_gen: v7x
topology: tpu7x:2x2x1
jax: 0.10.2.dev20260603
libtpu: 0.0.44.dev20260713+nightly
codegen_flags: <defaults>
</compile_context>

<pallas_src>
import functools

import jax
import jax.numpy as jnp
from jax import lax
from jax.experimental import pallas as pl
from jax.experimental.pallas import tpu as pltpu
from jax.experimental.pallas import tpu_sc as plsc

B, Lseq, V, D = 16384, 200, 100, 10
DP = 16
NB = B - 2
NW = 32
LANES = 16

CB = 128
NBLK = B // CB
BPT = NBLK // NW
LT = Lseq // 8
SBS = CB // LANES


def _normalize_table(table, gamma, beta):
    tpad = jnp.zeros((V, DP), jnp.float32).at[:, :D].set(table)
    gpad = jnp.zeros((1, DP), jnp.float32).at[0, :D].set(gamma)
    bpad = jnp.zeros((1, DP), jnp.float32).at[0, :D].set(beta)

    def body(t_ref, g_ref, b_ref, o_ref):
        x = t_ref[...]
        mean = jnp.sum(x, axis=-1, keepdims=True) * (1.0 / D)
        mask = lax.broadcasted_iota(jnp.int32, (V, DP), 1) < D
        cen = jnp.where(mask, x - mean, 0.0)
        var = jnp.sum(cen * cen, axis=-1, keepdims=True) * (1.0 / D)
        r = lax.rsqrt(var + 1e-5)
        o_ref[...] = cen * r * g_ref[...] + b_ref[...]

    return pl.pallas_call(
        body,
        out_shape=jax.ShapeDtypeStruct((V, DP), jnp.float32),
    )(tpad, gpad, bpad)


def _make_gather_kernel():
    mesh = plsc.VectorSubcoreMesh(core_axis_name="c", subcore_axis_name="s")

    @functools.partial(
        pl.kernel,
        out_type=jax.ShapeDtypeStruct((D, Lseq, B), jnp.float32),
        mesh=mesh,
        compiler_params=pltpu.CompilerParams(needs_layout_passes=False),
        scratch_types=[
            pltpu.VMEM((V * DP,), jnp.float32),
            pltpu.VMEM((CB + 8, Lseq), jnp.int32),
            pltpu.VMEM((D, 8, CB), jnp.float32),
            pltpu.VMEM((D, 8, CB), jnp.float32),
            pltpu.SemaphoreType.DMA,
            pltpu.SemaphoreType.DMA,
        ],
    )
    def gather_k(nt_hbm, ids_hbm, out_hbm, nt_v, ids_v, out0, out1, so0, so1):
        wid = lax.axis_index("s") * 2 + lax.axis_index("c")
        pltpu.sync_copy(nt_hbm, nt_v)
        iota = lax.iota(jnp.int32, LANES)

        def wait_out(out_v, sem):
            pltpu.make_async_copy(
                out_v, out_hbm.at[:, pl.ds(0, 8), pl.ds(0, CB)], sem).wait()

        for bb in range(BPT):
            blk = wid * BPT + bb
            b0 = blk * CB
            start_row = pl.multiple_of(jnp.minimum(b0, B - (CB + 8)), 8)
            rshift = b0 + 1 - start_row
            pltpu.sync_copy(ids_hbm.at[pl.ds(start_row, CB + 8), :], ids_v)

            def compute(lt, out_v):
                @functools.partial(plsc.parallel_loop, 0, 8, unroll=2)
                def l8_body(l8):
                    l = lt * 8 + l8
                    lv = jnp.full((LANES,), 0, jnp.int32) + l
                    for sb in range(SBS):
                        bv = jnp.minimum(iota + (sb * LANES + rshift), CB + 7)
                        idsg = plsc.load_gather(ids_v, [bv, lv])
                        rowb = idsg * DP
                        for f in range(D):
                            vals = plsc.load_gather(nt_v, [rowb + f])
                            out_v[f, l8, pl.ds(sb * LANES, LANES)] = vals

            def start_out(lt, out_v, sem):
                pltpu.async_copy(
                    out_v,
                    out_hbm.at[:, pl.ds(lt * 8, 8), pl.ds(b0, CB)], sem)

            compute(0, out0)
            start_out(0, out0, so0)
            compute(1, out1)
            start_out(1, out1, so1)

            def pair(k, _):
                lt0 = 2 * k
                wait_out(out0, so0)
                compute(lt0, out0)
                start_out(lt0, out0, so0)
                wait_out(out1, so1)
                compute(lt0 + 1, out1)
                start_out(lt0 + 1, out1, so1)
                return 0

            lax.fori_loop(1, LT // 2, pair, 0)
            wait_out(out0, so0)
            compute(LT - 1, out0)
            start_out(LT - 1, out0, so0)
            wait_out(out0, so0)
            wait_out(out1, so1)

    return gather_k


_gather = _make_gather_kernel()


def kernel(input_ids, table, gamma, beta):
    nt = _normalize_table(table, gamma, beta).reshape(-1)
    out_t = _gather(nt, input_ids.astype(jnp.int32))
    return jnp.transpose(out_t, (2, 1, 0))[:NB]

# --- scband reference (transcript-rebuilt; emitter-appended) ---
"""Pipeline reference for scband-hugging-face-style-slice-model-32315333935844 (READ-ONLY COPY).

The authoritative reference and input builder live on the scoring server;
editing this copy changes nothing except your own understanding.
"""

import jax, jax.numpy as jnp
import numpy as np


def setup_inputs(seed: int = 0) -> dict:
    key = jax.random.key(seed)
    k1, k2 = jax.random.split(key, 2)
    input_ids = jax.random.randint(k1, (16384, 200), 0, 100, dtype=jnp.int64) if jax.config.jax_enable_x64 else jax.random.randint(k1, (16384, 200), 0, 100, dtype=jnp.int32)
    table = jax.random.normal(k2, (100, 10), dtype=jnp.float32)
    gamma = jnp.ones((10,), dtype=jnp.float32)
    beta = jnp.zeros((10,), dtype=jnp.float32)
    return {"input_ids": input_ids, "table": table, "gamma": gamma, "beta": beta}


def reference(input_ids, table, gamma, beta):
    # nn.Embedding lookup -> gather rows of table
    embeddings = jnp.take(table, input_ids, axis=0)  # [B, L, 10]
    # slice along leading (batch) dim: embeddings[1:-1]
    sliced = embeddings[1:-1]  # [B-2, L, 10]
    # nn.LayerNorm(10) over last dim, eps=1e-5, elementwise affine
    mean = jnp.mean(sliced, axis=-1, keepdims=True)
    var = jnp.mean(jnp.square(sliced - mean), axis=-1, keepdims=True)
    normed = (sliced - mean) / jnp.sqrt(var + 1e-5)
    return normed * gamma + beta

if __name__ == "__main__":
    import jax
    _d = setup_inputs()
    print(jax.jit(kernel)(*tuple(_d.values())))

</pallas_src>

<mosaic_0001>
#map = affine_map<(d0, d1) -> (0)>
#map1 = affine_map<(d0, d1) -> (0, 0)>
#map2 = affine_map<(d0, d1) -> (0, 0, 0)>
module attributes {stable_mosaic.version = 14 : i64} {
  func.func @gather_k(%arg0: i32, %arg1: i32, %arg2: memref<1600xf32, #tpu.memory_space<hbm>>, %arg3: memref<16384x200xi32, #tpu.memory_space<hbm>>, %arg4: memref<10x200x16384xf32, #tpu.memory_space<hbm>>, %arg5: memref<1600xf32, #tpu.memory_space<vmem>>, %arg6: memref<136x200xi32, #tpu.memory_space<vmem>>, %arg7: memref<10x8x128xf32, #tpu.memory_space<vmem>>, %arg8: memref<10x8x128xf32, #tpu.memory_space<vmem>>, %arg9: memref<!tpu.dma_semaphore, #tpu.memory_space<semaphore_mem>>, %arg10: memref<!tpu.dma_semaphore, #tpu.memory_space<semaphore_mem>>) attributes {dimension_semantics = [#tpu.dimension_semantics<core_parallel>, #tpu.dimension_semantics<subcore_parallel>], iteration_bounds = array<i64: 2, 16>, scalar_prefetch = 0 : i64, scratch_operands = 6 : i64, tpu.core_type = #tpu.core_type<sc_vector_subcore>, window_params = [{transform_indices = #map}, {transform_indices = #map1}, {transform_indices = #map2}]} {
    %mul3A = arith.constant 2 : i32
    %mul3A_0 = arith.muli %arg1, %mul3A : i32
    %add3A = arith.addi %mul3A_0, %arg0 : i32
    "tpu.region"() ({
      %run_scoped3A = tpu.sem_alloc : memref<!tpu.dma_semaphore, #tpu.memory_space<semaphore_mem>>
      tpu.enqueue_dma source(%arg2 : memref<1600xf32, #tpu.memory_space<hbm>>) target(%arg5 : memref<1600xf32, #tpu.memory_space<vmem>>) target_semaphore(%run_scoped3A : memref<!tpu.dma_semaphore, #tpu.memory_space<semaphore_mem>>)
      tpu.wait_dma2 semaphore(%run_scoped3A : memref<!tpu.dma_semaphore, #tpu.memory_space<semaphore_mem>>) src(%arg2 : memref<1600xf32, #tpu.memory_space<hbm>>) dst(%arg5 : memref<1600xf32, #tpu.memory_space<vmem>>)
      tpu.yield
    }) : () -> ()
    %iota3A = tpu.iota {dimensions = array<i32: 0>} : vector<16xi32>
    %mul3A_1 = arith.constant 4 : i32
    %mul3A_2 = arith.muli %add3A, %mul3A_1 : i32
    %add3A_3 = arith.constant 0 : i32
    %add3A_4 = arith.addi %mul3A_2, %add3A_3 : i32
    %mul3A_5 = arith.constant 128 : i32
    %mul3A_6 = arith.muli %add3A_4, %mul3A_5 : i32
    %min3A = arith.constant 16248 : i32
    %min3A_7 = arith.minsi %mul3A_6, %min3A : i32
    %multiple_of3A = tpu.assume_multiple %min3A_7, 8 : i32
    %add3A_8 = arith.constant 1 : i32
    %add3A_9 = arith.addi %mul3A_6, %add3A_8 : i32
    %sub3A = arith.subi %add3A_9, %multiple_of3A : i32
    "tpu.region"() ({
      %run_scoped3A = tpu.sem_alloc : memref<!tpu.dma_semaphore, #tpu.memory_space<semaphore_mem>>
      %dma_start3A_239 = arith.constant 0 : i32
      %dma_start3A_240 = tpu.memref_slice %arg3[%multiple_of3A, %dma_start3A_239] : memref<16384x200xi32, #tpu.memory_space<hbm>> -> memref<136x200xi32, #tpu.memory_space<hbm>>
      %dma_start3A_241 = arith.constant 0 : i32
      %dma_start3A_242 = tpu.memref_slice %arg3[%multiple_of3A, %dma_start3A_241] : memref<16384x200xi32, #tpu.memory_space<hbm>> -> memref<136x200xi32, #tpu.memory_space<hbm>>
      tpu.enqueue_dma source(%dma_start3A_242 : memref<136x200xi32, #tpu.memory_space<hbm>>) target(%arg6 : memref<136x200xi32, #tpu.memory_space<vmem>>) target_semaphore(%run_scoped3A : memref<!tpu.dma_semaphore, #tpu.memory_space<semaphore_mem>>)
      %dma_wait3A_243 = arith.constant 0 : i32
      %dma_wait3A_244 = tpu.memref_slice %arg3[%multiple_of3A, %dma_wait3A_243] : memref<16384x200xi32, #tpu.memory_space<hbm>> -> memref<136x200xi32, #tpu.memory_space<hbm>>
      %dma_wait3A_245 = arith.constant 0 : i32
      %dma_wait3A_246 = tpu.memref_slice %arg3[%multiple_of3A, %dma_wait3A_245] : memref<16384x200xi32, #tpu.memory_space<hbm>> -> memref<136x200xi32, #tpu.memory_space<hbm>>
      tpu.wait_dma2 semaphore(%run_scoped3A : memref<!tpu.dma_semaphore, #tpu.memory_space<semaphore_mem>>) src(%dma_wait3A_246 : memref<136x200xi32, #tpu.memory_space<hbm>>) dst(%arg6 : memref<136x200xi32, #tpu.memory_space<vmem>>)
      tpu.yield
    }) : () -> ()
    %dma_start3A = arith.constant 0 : i32
    %dma_start3A_10 = arith.constant 0 : i32
    %dma_start3A_11 = tpu.memref_slice %arg4[%dma_start3A, %dma_start3A_10, %mul3A_6] : memref<10x200x16384xf32, #tpu.memory_space<hbm>> -> memref<10x8x128xf32, #tpu.memory_space<hbm>>
    %dma_start3A_12 = arith.constant 0 : i32
    %dma_start3A_13 = arith.constant 0 : i32
    %dma_start3A_14 = tpu.memref_slice %arg4[%dma_start3A_12, %dma_start3A_13, %mul3A_6] : memref<10x200x16384xf32, #tpu.memory_space<hbm>> -> memref<10x8x128xf32, #tpu.memory_space<hbm>>
    tpu.enqueue_dma source(%arg7 : memref<10x8x128xf32, #tpu.memory_space<vmem>>) target(%dma_start3A_14 : memref<10x8x128xf32, #tpu.memory_space<hbm>>) target_semaphore(%arg9 : memref<!tpu.dma_semaphore, #tpu.memory_space<semaphore_mem>>)
    %dma_start3A_15 = arith.constant 0 : i32
    %dma_start3A_16 = arith.constant 8 : i32
    %dma_start3A_17 = tpu.memref_slice %arg4[%dma_start3A_15, %dma_start3A_16, %mul3A_6] : memref<10x200x16384xf32, #tpu.memory_space<hbm>> -> memref<10x8x128xf32, #tpu.memory_space<hbm>>
    %dma_start3A_18 = arith.constant 0 : i32
    %dma_start3A_19 = arith.constant 8 : i32
    %dma_start3A_20 = tpu.memref_slice %arg4[%dma_start3A_18, %dma_start3A_19, %mul3A_6] : memref<10x200x16384xf32, #tpu.memory_space<hbm>> -> memref<10x8x128xf32, #tpu.memory_space<hbm>>
    tpu.enqueue_dma source(%arg8 : memref<10x8x128xf32, #tpu.memory_space<vmem>>) target(%dma_start3A_20 : memref<10x8x128xf32, #tpu.memory_space<hbm>>) target_semaphore(%arg10 : memref<!tpu.dma_semaphore, #tpu.memory_space<semaphore_mem>>)
    %scan3A = arith.constant 0 : i32
    %scan3A_21 = arith.constant 1 : i32
    %scan3A_22 = arith.constant 11 : i32
    %scan3A_23 = arith.addi %scan3A_21, %scan3A_22 : i32
    %scan3A_24 = arith.constant 1 : i32
    %scan3A_25 = scf.for %scan3A_239 = %scan3A_21 to %scan3A_23 step %scan3A_24 iter_args(%scan3A_240 = %scan3A) -> (i32)  : i32 {
      %mul3A_241 = arith.constant 2 : i32
      %mul3A_242 = arith.muli %mul3A_241, %scan3A_239 : i32
      %dma_wait3A_243 = arith.constant 0 : i32
      %dma_wait3A_244 = arith.constant 0 : i32
      %dma_wait3A_245 = arith.constant 0 : i32
      %dma_wait3A_246 = tpu.memref_slice %arg4[%dma_wait3A_243, %dma_wait3A_244, %dma_wait3A_245] : memref<10x200x16384xf32, #tpu.memory_space<hbm>> -> memref<10x8x128xf32, #tpu.memory_space<hbm>>
      %dma_wait3A_247 = arith.constant 0 : i32
      %dma_wait3A_248 = arith.constant 0 : i32
      %dma_wait3A_249 = arith.constant 0 : i32
      %dma_wait3A_250 = tpu.memref_slice %arg4[%dma_wait3A_247, %dma_wait3A_248, %dma_wait3A_249] : memref<10x200x16384xf32, #tpu.memory_space<hbm>> -> memref<10x8x128xf32, #tpu.memory_space<hbm>>
      tpu.wait_dma2 semaphore(%arg9 : memref<!tpu.dma_semaphore, #tpu.memory_space<semaphore_mem>>) src(%arg7 : memref<10x8x128xf32, #tpu.memory_space<vmem>>) dst(%dma_wait3A_250 : memref<10x8x128xf32, #tpu.memory_space<hbm>>)
      %mul3A_251 = arith.constant 8 : i32
      %mul3A_252 = arith.muli %mul3A_242, %mul3A_251 : i32
      %dma_start3A_253 = arith.constant 0 : i32
      %dma_start3A_254 = tpu.memref_slice %arg4[%dma_start3A_253, %mul3A_252, %mul3A_6] : memref<10x200x16384xf32, #tpu.memory_space<hbm>> -> memref<10x8x128xf32, #tpu.memory_space<hbm>>
      %dma_start3A_255 = arith.constant 0 : i32
      %dma_start3A_256 = tpu.memref_slice %arg4[%dma_start3A_255, %mul3A_252, %mul3A_6] : memref<10x200x16384xf32, #tpu.memory_space<hbm>> -> memref<10x8x128xf32, #tpu.memory_space<hbm>>
      tpu.enqueue_dma source(%arg7 : memref<10x8x128xf32, #tpu.memory_space<vmem>>) target(%dma_start3A_256 : memref<10x8x128xf32, #tpu.memory_space<hbm>>) target_semaphore(%arg9 : memref<!tpu.dma_semaphore, #tpu.memory_space<semaphore_mem>>)
      %dma_wait3A_257 = arith.constant 0 : i32
      %dma_wait3A_258 = arith.constant 0 : i32
      %dma_wait3A_259 = arith.constant 0 : i32
      %dma_wait3A_260 = tpu.memref_slice %arg4[%dma_wait3A_257, %dma_wait3A_258, %dma_wait3A_259] : memref<10x200x16384xf32, #tpu.memory_space<hbm>> -> memref<10x8x128xf32, #tpu.memory_space<hbm>>
      %dma_wait3A_261 = arith.constant 0 : i32
      %dma_wait3A_262 = arith.constant 0 : i32
      %dma_wait3A_263 = arith.constant 0 : i32
      %dma_wait3A_264 = tpu.memref_slice %arg4[%dma_wait3A_261, %dma_wait3A_262, %dma_wait3A_263] : memref<10x200x16384xf32, #tpu.memory_space<hbm>> -> memref<10x8x128xf32, #tpu.memory_space<hbm>>
      tpu.wait_dma2 semaphore(%arg10 : memref<!tpu.dma_semaphore, #tpu.memory_space<semaphore_mem>>) src(%arg8 : memref<10x8x128xf32, #tpu.memory_space<vmem>>) dst(%dma_wait3A_264 : memref<10x8x128xf32, #tpu.memory_space<hbm>>)
      %add3A_265 = arith.constant 1 : i32
      %add3A_266 = arith.addi %mul3A_242, %add3A_265 : i32
      %add3A_267 = arith.constant 1 : i32
      %add3A_268 = arith.addi %mul3A_242, %add3A_267 : i32
      %mul3A_269 = arith.constant 8 : i32
      %mul3A_270 = arith.muli %add3A_268, %mul3A_269 : i32
      %dma_start3A_271 = arith.constant 0 : i32
      %dma_start3A_272 = tpu.memref_slice %arg4[%dma_start3A_271, %mul3A_270, %mul3A_6] : memref<10x200x16384xf32, #tpu.memory_space<hbm>> -> memref<10x8x128xf32, #tpu.memory_space<hbm>>
      %dma_start3A_273 = arith.constant 0 : i32
      %dma_start3A_274 = tpu.memref_slice %arg4[%dma_start3A_273, %mul3A_270, %mul3A_6] : memref<10x200x16384xf32, #tpu.memory_space<hbm>> -> memref<10x8x128xf32, #tpu.memory_space<hbm>>
      tpu.enqueue_dma source(%arg8 : memref<10x8x128xf32, #tpu.memory_space<vmem>>) target(%dma_start3A_274 : memref<10x8x128xf32, #tpu.memory_space<hbm>>) target_semaphore(%arg10 : memref<!tpu.dma_semaphore, #tpu.memory_space<semaphore_mem>>)
      %scan3A_275 = arith.constant 0 : i32
      scf.yield %scan3A_275 : i32
    }
    %scan3A_26 = arith.constant 11 : i32
    %dma_wait3A = arith.constant 0 : i32
    %dma_wait3A_27 = arith.constant 0 : i32
    %dma_wait3A_28 = arith.constant 0 : i32
    %dma_wait3A_29 = tpu.memref_slice %arg4[%dma_wait3A, %dma_wait3A_27, %dma_wait3A_28] : memref<10x200x16384xf32, #tpu.memory_space<hbm>> -> memref<10x8x128xf32, #tpu.memory_space<hbm>>
    %dma_wait3A_30 = arith.constant 0 : i32
    %dma_wait3A_31 = arith.constant 0 : i32
    %dma_wait3A_32 = arith.constant 0 : i32
    %dma_wait3A_33 = tpu.memref_slice %arg4[%dma_wait3A_30, %dma_wait3A_31, %dma_wait3A_32] : memref<10x200x16384xf32, #tpu.memory_space<hbm>> -> memref<10x8x128xf32, #tpu.memory_space<hbm>>
    tpu.wait_dma2 semaphore(%arg9 : memref<!tpu.dma_semaphore, #tpu.memory_space<semaphore_mem>>) src(%arg7 : memref<10x8x128xf32, #tpu.memory_space<vmem>>) dst(%dma_wait3A_33 : memref<10x8x128xf32, #tpu.memory_space<hbm>>)
    %dma_start3A_34 = arith.constant 0 : i32
    %dma_start3A_35 = arith.constant 192 : i32
    %dma_start3A_36 = tpu.memref_slice %arg4[%dma_start3A_34, %dma_start3A_35, %mul3A_6] : memref<10x200x16384xf32, #tpu.memory_space<hbm>> -> memref<10x8x128xf32, #tpu.memory_space<hbm>>
    %dma_start3A_37 = arith.constant 0 : i32
    %dma_start3A_38 = arith.constant 192 : i32
    %dma_start3A_39 = tpu.memref_slice %arg4[%dma_start3A_37, %dma_start3A_38, %mul3A_6] : memref<10x200x16384xf32, #tpu.memory_space<hbm>> -> memref<10x8x128xf32, #tpu.memory_space<hbm>>
    tpu.enqueue_dma source(%arg7 : memref<10x8x128xf32, #tpu.memory_space<vmem>>) target(%dma_start3A_39 : memref<10x8x128xf32, #tpu.memory_space<hbm>>) target_semaphore(%arg9 : memref<!tpu.dma_semaphore, #tpu.memory_space<semaphore_mem>>)
    %dma_wait3A_40 = arith.constant 0 : i32
    %dma_wait3A_41 = arith.constant 0 : i32
    %dma_wait3A_42 = arith.constant 0 : i32
    %dma_wait3A_43 = tpu.memref_slice %arg4[%dma_wait3A_40, %dma_wait3A_41, %dma_wait3A_42] : memref<10x200x16384xf32, #tpu.memory_space<hbm>> -> memref<10x8x128xf32, #tpu.memory_space<hbm>>
    %dma_wait3A_44 = arith.constant 0 : i32
    %dma_wait3A_45 = arith.constant 0 : i32
    %dma_wait3A_46 = arith.constant 0 : i32
    %dma_wait3A_47 = tpu.memref_slice %arg4[%dma_wait3A_44, %dma_wait3A_45, %dma_wait3A_46] : memref<10x200x16384xf32, #tpu.memory_space<hbm>> -> memref<10x8x128xf32, #tpu.memory_space<hbm>>
    tpu.wait_dma2 semaphore(%arg9 : memref<!tpu.dma_semaphore, #tpu.memory_space<semaphore_mem>>) src(%arg7 : memref<10x8x128xf32, #tpu.memory_space<vmem>>) dst(%dma_wait3A_47 : memref<10x8x128xf32, #tpu.memory_space<hbm>>)
    %dma_wait3A_48 = arith.constant 0 : i32
    %dma_wait3A_49 = arith.constant 0 : i32
    %dma_wait3A_50 = arith.constant 0 : i32
    %dma_wait3A_51 = tpu.memref_slice %arg4[%dma_wait3A_48, %dma_wait3A_49, %dma_wait3A_50] : memref<10x200x16384xf32, #tpu.memory_space<hbm>> -> memref<10x8x128xf32, #tpu.memory_space<hbm>>
    %dma_wait3A_52 = arith.constant 0 : i32
    %dma_wait3A_53 = arith.constant 0 : i32
    %dma_wait3A_54 = arith.constant 0 : i32
    %dma_wait3A_55 = tpu.memref_slice %arg4[%dma_wait3A_52, %dma_wait3A_53, %dma_wait3A_54] : memref<10x200x16384xf32, #tpu.memory_space<hbm>> -> memref<10x8x128xf32, #tpu.memory_space<hbm>>
    tpu.wait_dma2 semaphore(%arg10 : memref<!tpu.dma_semaphore, #tpu.memory_space<semaphore_mem>>) src(%arg8 : memref<10x8x128xf32, #tpu.memory_space<vmem>>) dst(%dma_wait3A_55 : memref<10x8x128xf32, #tpu.memory_space<hbm>>)
    %mul3A_56 = arith.constant 4 : i32
    %mul3A_57 = arith.muli %add3A, %mul3A_56 : i32
    %add3A_58 = arith.constant 1 : i32
    %add3A_59 = arith.addi %mul3A_57, %add3A_58 : i32
    %mul3A_60 = arith.constant 128 : i32
    %mul3A_61 = arith.muli %add3A_59, %mul3A_60 : i32
    %min3A_62 = arith.constant 16248 : i32
    %min3A_63 = arith.minsi %mul3A_61, %min3A_62 : i32
    %multiple_of3A_64 = tpu.assume_multiple %min3A_63, 8 : i32
    %add3A_65 = arith.constant 1 : i32
    %add3A_66 = arith.addi %mul3A_61, %add3A_65 : i32
    %sub3A_67 = arith.subi %add3A_66, %multiple_of3A_64 : i32
    "tpu.region"() ({
      %run_scoped3A = tpu.sem_alloc : memref<!tpu.dma_semaphore, #tpu.memory_space<semaphore_mem>>
      %dma_start3A_239 = arith.constant 0 : i32
      %dma_start3A_240 = tpu.memref_slice %arg3[%multiple_of3A_64, %dma_start3A_239] : memref<16384x200xi32, #tpu.memory_space<hbm>> -> memref<136x200xi32, #tpu.memory_space<hbm>>
      %dma_start3A_241 = arith.constant 0 : i32
      %dma_start3A_242 = tpu.memref_slice %arg3[%multiple_of3A_64, %dma_start3A_241] : memref<16384x200xi32, #tpu.memory_space<hbm>> -> memref<136x200xi32, #tpu.memory_space<hbm>>
      tpu.enqueue_dma source(%dma_start3A_242 : memref<136x200xi32, #tpu.memory_space<hbm>>) target(%arg6 : memref<136x200xi32, #tpu.memory_space<vmem>>) target_semaphore(%run_scoped3A : memref<!tpu.dma_semaphore, #tpu.memory_space<semaphore_mem>>)
      %dma_wait3A_243 = arith.constant 0 : i32
      %dma_wait3A_244 = tpu.memref_slice %arg3[%multiple_of3A_64, %dma_wait3A_243] : memref<16384x200xi32, #tpu.memory_space<hbm>> -> memref<136x200xi32, #tpu.memory_space<hbm>>
      %dma_wait3A_245 = arith.constant 0 : i32
      %dma_wait3A_246 = tpu.memref_slice %arg3[%multiple_of3A_64, %dma_wait3A_245] : memref<16384x200xi32, #tpu.memory_space<hbm>> -> memref<136x200xi32, #tpu.memory_space<hbm>>
      tpu.wait_dma2 semaphore(%run_scoped3A : memref<!tpu.dma_semaphore, #tpu.memory_space<semaphore_mem>>) src(%dma_wait3A_246 : memref<136x200xi32, #tpu.memory_space<hbm>>) dst(%arg6 : memref<136x200xi32, #tpu.memory_space<vmem>>)
      tpu.yield
    }) : () -> ()
    %dma_start3A_68 = arith.constant 0 : i32
    %dma_start3A_69 = arith.constant 0 : i32
    %dma_start3A_70 = tpu.memref_slice %arg4[%dma_start3A_68, %dma_start3A_69, %mul3A_61] : memref<10x200x16384xf32, #tpu.memory_space<hbm>> -> memref<10x8x128xf32, #tpu.memory_space<hbm>>
    %dma_start3A_71 = arith.constant 0 : i32
    %dma_start3A_72 = arith.constant 0 : i32
    %dma_start3A_73 = tpu.memref_slice %arg4[%dma_start3A_71, %dma_start3A_72, %mul3A_61] : memref<10x200x16384xf32, #tpu.memory_space<hbm>> -> memref<10x8x128xf32, #tpu.memory_space<hbm>>
    tpu.enqueue_dma source(%arg7 : memref<10x8x128xf32, #tpu.memory_space<vmem>>) target(%dma_start3A_73 : memref<10x8x128xf32, #tpu.memory_space<hbm>>) target_semaphore(%arg9 : memref<!tpu.dma_semaphore, #tpu.memory_space<semaphore_mem>>)
    %dma_start3A_74 = arith.constant 0 : i32
    %dma_start3A_75 = arith.constant 8 : i32
    %dma_start3A_76 = tpu.memref_slice %arg4[%dma_start3A_74, %dma_start3A_75, %mul3A_61] : memref<10x200x16384xf32, #tpu.memory_space<hbm>> -> memref<10x8x128xf32, #tpu.memory_space<hbm>>
    %dma_start3A_77 = arith.constant 0 : i32
    %dma_start3A_78 = arith.constant 8 : i32
    %dma_start3A_79 = tpu.memref_slice %arg4[%dma_start3A_77, %dma_start3A_78, %mul3A_61] : memref<10x200x16384xf32, #tpu.memory_space<hbm>> -> memref<10x8x128xf32, #tpu.memory_space<hbm>>
    tpu.enqueue_dma source(%arg8 : memref<10x8x128xf32, #tpu.memory_space<vmem>>) target(%dma_start3A_79 : memref<10x8x128xf32, #tpu.memory_space<hbm>>) target_semaphore(%arg10 : memref<!tpu.dma_semaphore, #tpu.memory_space<semaphore_mem>>)
    %scan3A_80 = arith.constant 0 : i32
    %scan3A_81 = arith.constant 1 : i32
    %scan3A_82 = arith.constant 11 : i32
    %scan3A_83 = arith.addi %scan3A_81, %scan3A_82 : i32
    %scan3A_84 = arith.constant 1 : i32
    %scan3A_85 = scf.for %scan3A_239 = %scan3A_81 to %scan3A_83 step %scan3A_84 iter_args(%scan3A_240 = %scan3A_80) -> (i32)  : i32 {
      %mul3A_241 = arith.constant 2 : i32
      %mul3A_242 = arith.muli %mul3A_241, %scan3A_239 : i32
      %dma_wait3A_243 = arith.constant 0 : i32
      %dma_wait3A_244 = arith.constant 0 : i32
      %dma_wait3A_245 = arith.constant 0 : i32
      %dma_wait3A_246 = tpu.memref_slice %arg4[%dma_wait3A_243, %dma_wait3A_244, %dma_wait3A_245] : memref<10x200x16384xf32, #tpu.memory_space<hbm>> -> memref<10x8x128xf32, #tpu.memory_space<hbm>>
      %dma_wait3A_247 = arith.constant 0 : i32
      %dma_wait3A_248 = arith.constant 0 : i32
      %dma_wait3A_249 = arith.constant 0 : i32
      %dma_wait3A_250 = tpu.memref_slice %arg4[%dma_wait3A_247, %dma_wait3A_248, %dma_wait3A_249] : memref<10x200x16384xf32, #tpu.memory_space<hbm>> -> memref<10x8x128xf32, #tpu.memory_space<hbm>>
      tpu.wait_dma2 semaphore(%arg9 : memref<!tpu.dma_semaphore, #tpu.memory_space<semaphore_mem>>) src(%arg7 : memref<10x8x128xf32, #tpu.memory_space<vmem>>) dst(%dma_wait3A_250 : memref<10x8x128xf32, #tpu.memory_space<hbm>>)
      %mul3A_251 = arith.constant 8 : i32
      %mul3A_252 = arith.muli %mul3A_242, %mul3A_251 : i32
      %dma_start3A_253 = arith.constant 0 : i32
      %dma_start3A_254 = tpu.memref_slice %arg4[%dma_start3A_253, %mul3A_252, %mul3A_61] : memref<10x200x16384xf32, #tpu.memory_space<hbm>> -> memref<10x8x128xf32, #tpu.memory_space<hbm>>
      %dma_start3A_255 = arith.constant 0 : i32
      %dma_start3A_256 = tpu.memref_slice %arg4[%dma_start3A_255, %mul3A_252, %mul3A_61] : memref<10x200x16384xf32, #tpu.memory_space<hbm>> -> memref<10x8x128xf32, #tpu.memory_space<hbm>>
      tpu.enqueue_dma source(%arg7 : memref<10x8x128xf32, #tpu.memory_space<vmem>>) target(%dma_start3A_256 : memref<10x8x128xf32, #tpu.memory_space<hbm>>) target_semaphore(%arg9 : memref<!tpu.dma_semaphore, #tpu.memory_space<semaphore_mem>>)
      %dma_wait3A_257 = arith.constant 0 : i32
      %dma_wait3A_258 = arith.constant 0 : i32
      %dma_wait3A_259 = arith.constant 0 : i32
      %dma_wait3A_260 = tpu.memref_slice %arg4[%dma_wait3A_257, %dma_wait3A_258, %dma_wait3A_259] : memref<10x200x16384xf32, #tpu.memory_space<hbm>> -> memref<10x8x128xf32, #tpu.memory_space<hbm>>
      %dma_wait3A_261 = arith.constant 0 : i32
      %dma_wait3A_262 = arith.constant 0 : i32
      %dma_wait3A_263 = arith.constant 0 : i32
      %dma_wait3A_264 = tpu.memref_slice %arg4[%dma_wait3A_261, %dma_wait3A_262, %dma_wait3A_263] : memref<10x200x16384xf32, #tpu.memory_space<hbm>> -> memref<10x8x128xf32, #tpu.memory_space<hbm>>
      tpu.wait_dma2 semaphore(%arg10 : memref<!tpu.dma_semaphore, #tpu.memory_space<semaphore_mem>>) src(%arg8 : memref<10x8x128xf32, #tpu.memory_space<vmem>>) dst(%dma_wait3A_264 : memref<10x8x128xf32, #tpu.memory_space<hbm>>)
      %add3A_265 = arith.constant 1 : i32
      %add3A_266 = arith.addi %mul3A_242, %add3A_265 : i32
      %add3A_267 = arith.constant 1 : i32
      %add3A_268 = arith.addi %mul3A_242, %add3A_267 : i32
      %mul3A_269 = arith.constant 8 : i32
      %mul3A_270 = arith.muli %add3A_268, %mul3A_269 : i32
      %dma_start3A_271 = arith.constant 0 : i32
      %dma_start3A_272 = tpu.memref_slice %arg4[%dma_start3A_271, %mul3A_270, %mul3A_61] : memref<10x200x16384xf32, #tpu.memory_space<hbm>> -> memref<10x8x128xf32, #tpu.memory_space<hbm>>
      %dma_start3A_273 = arith.constant 0 : i32
      %dma_start3A_274 = tpu.memref_slice %arg4[%dma_start3A_273, %mul3A_270, %mul3A_61] : memref<10x200x16384xf32, #tpu.memory_space<hbm>> -> memref<10x8x128xf32, #tpu.memory_space<hbm>>
      tpu.enqueue_dma source(%arg8 : memref<10x8x128xf32, #tpu.memory_space<vmem>>) target(%dma_start3A_274 : memref<10x8x128xf32, #tpu.memory_space<hbm>>) target_semaphore(%arg10 : memref<!tpu.dma_semaphore, #tpu.memory_space<semaphore_mem>>)
      %scan3A_275 = arith.constant 0 : i32
      scf.yield %scan3A_275 : i32
    }
    %scan3A_86 = arith.constant 11 : i32
    %dma_wait3A_87 = arith.constant 0 : i32
    %dma_wait3A_88 = arith.constant 0 : i32
    %dma_wait3A_89 = arith.constant 0 : i32
    %dma_wait3A_90 = tpu.memref_slice %arg4[%dma_wait3A_87, %dma_wait3A_88, %dma_wait3A_89] : memref<10x200x16384xf32, #tpu.memory_space<hbm>> -> memref<10x8x128xf32, #tpu.memory_space<hbm>>
    %dma_wait3A_91 = arith.constant 0 : i32
    %dma_wait3A_92 = arith.constant 0 : i32
    %dma_wait3A_93 = arith.constant 0 : i32
    %dma_wait3A_94 = tpu.memref_slice %arg4[%dma_wait3A_91, %dma_wait3A_92, %dma_wait3A_93] : memref<10x200x16384xf32, #tpu.memory_space<hbm>> -> memref<10x8x128xf32, #tpu.memory_space<hbm>>
    tpu.wait_dma2 semaphore(%arg9 : memref<!tpu.dma_semaphore, #tpu.memory_space<semaphore_mem>>) src(%arg7 : memref<10x8x128xf32, #tpu.memory_space<vmem>>) dst(%dma_wait3A_94 : memref<10x8x128xf32, #tpu.memory_space<hbm>>)
    %dma_start3A_95 = arith.constant 0 : i32
    %dma_start3A_96 = arith.constant 192 : i32
    %dma_start3A_97 = tpu.memref_slice %arg4[%dma_start3A_95, %dma_start3A_96, %mul3A_61] : memref<10x200x16384xf32, #tpu.memory_space<hbm>> -> memref<10x8x128xf32, #tpu.memory_space<hbm>>
    %dma_start3A_98 = arith.constant 0 : i32
    %dma_start3A_99 = arith.constant 192 : i32
    %dma_start3A_100 = tpu.memref_slice %arg4[%dma_start3A_98, %dma_start3A_99, %mul3A_61] : memref<10x200x16384xf32, #tpu.memory_space<hbm>> -> memref<10x8x128xf32, #tpu.memory_space<hbm>>
    tpu.enqueue_dma source(%arg7 : memref<10x8x128xf32, #tpu.memory_space<vmem>>) target(%dma_start3A_100 : memref<10x8x128xf32, #tpu.memory_space<hbm>>) target_semaphore(%arg9 : memref<!tpu.dma_semaphore, #tpu.memory_space<semaphore_mem>>)
    %dma_wait3A_101 = arith.constant 0 : i32
    %dma_wait3A_102 = arith.constant 0 : i32
    %dma_wait3A_103 = arith.constant 0 : i32
    %dma_wait3A_104 = tpu.memref_slice %arg4[%dma_wait3A_101, %dma_wait3A_102, %dma_wait3A_103] : memref<10x200x16384xf32, #tpu.memory_space<hbm>> -> memref<10x8x128xf32, #tpu.memory_space<hbm>>
    %dma_wait3A_105 = arith.constant 0 : i32
    %dma_wait3A_106 = arith.constant 0 : i32
    %dma_wait3A_107 = arith.constant 0 : i32
    %dma_wait3A_108 = tpu.memref_slice %arg4[%dma_wait3A_105, %dma_wait3A_106, %dma_wait3A_107] : memref<10x200x16384xf32, #tpu.memory_space<hbm>> -> memref<10x8x128xf32, #tpu.memory_space<hbm>>
    tpu.wait_dma2 semaphore(%arg9 : memref<!tpu.dma_semaphore, #tpu.memory_space<semaphore_mem>>) src(%arg7 : memref<10x8x128xf32, #tpu.memory_space<vmem>>) dst(%dma_wait3A_108 : memref<10x8x128xf32, #tpu.memory_space<hbm>>)
    %dma_wait3A_109 = arith.constant 0 : i32
    %dma_wait3A_110 = arith.constant 0 : i32
    %dma_wait3A_111 = arith.constant 0 : i32
    %dma_wait3A_112 = tpu.memref_slice %arg4[%dma_wait3A_109, %dma_wait3A_110, %dma_wait3A_111] : memref<10x200x16384xf32, #tpu.memory_space<hbm>> -> memref<10x8x128xf32, #tpu.memory_space<hbm>>
    %dma_wait3A_113 = arith.constant 0 : i32
    %dma_wait3A_114 = arith.constant 0 : i32
    %dma_wait3A_115 = arith.constant 0 : i32
    %dma_wait3A_116 = tpu.memref_slice %arg4[%dma_wait3A_113, %dma_wait3A_114, %dma_wait3A_115] : memref<10x200x16384xf32, #tpu.memory_space<hbm>> -> memref<10x8x128xf32, #tpu.memory_space<hbm>>
    tpu.wait_dma2 semaphore(%arg10 : memref<!tpu.dma_semaphore, #tpu.memory_space<semaphore_mem>>) src(%arg8 : memref<10x8x128xf32, #tpu.memory_space<vmem>>) dst(%dma_wait3A_116 : memref<10x8x128xf32, #tpu.memory_space<hbm>>)
    %mul3A_117 = arith.constant 4 : i32
    %mul3A_118 = arith.muli %add3A, %mul3A_117 : i32
    %add3A_119 = arith.constant 2 : i32
    %add3A_120 = arith.addi %mul3A_118, %add3A_119 : i32
    %mul3A_121 = arith.constant 128 : i32
    %mul3A_122 = arith.muli %add3A_120, %mul3A_121 : i32
    %min3A_123 = arith.constant 16248 : i32
    %min3A_124 = arith.minsi %mul3A_122, %min3A_123 : i32
    %multiple_of3A_125 = tpu.assume_multiple %min3A_124, 8 : i32
    %add3A_126 = arith.constant 1 : i32
    %add3A_127 = arith.addi %mul3A_122, %add3A_126 : i32
    %sub3A_128 = arith.subi %add3A_127, %multiple_of3A_125 : i32
    "tpu.region"() ({
      %run_scoped3A = tpu.sem_alloc : memref<!tpu.dma_semaphore, #tpu.memory_space<semaphore_mem>>
      %dma_start3A_239 = arith.constant 0 : i32
      %dma_start3A_240 = tpu.memref_slice %arg3[%multiple_of3A_125, %dma_start3A_239] : memref<16384x200xi32, #tpu.memory_space<hbm>> -> memref<136x200xi32, #tpu.memory_space<hbm>>
      %dma_start3A_241 = arith.constant 0 : i32
      %dma_start3A_242 = tpu.memref_slice %arg3[%multiple_of3A_125, %dma_start3A_241] : memref<16384x200xi32, #tpu.memory_space<hbm>> -> memref<136x200xi32, #tpu.memory_space<hbm>>
      tpu.enqueue_dma source(%dma_start3A_242 : memref<136x200xi32, #tpu.memory_space<hbm>>) target(%arg6 : memref<136x200xi32, #tpu.memory_space<vmem>>) target_semaphore(%run_scoped3A : memref<!tpu.dma_semaphore, #tpu.memory_space<semaphore_mem>>)
      %dma_wait3A_243 = arith.constant 0 : i32
      %dma_wait3A_244 = tpu.memref_slice %arg3[%multiple_of3A_125, %dma_wait3A_243] : memref<16384x200xi32, #tpu.memory_space<hbm>> -> memref<136x200xi32, #tpu.memory_space<hbm>>
      %dma_wait3A_245 = arith.constant 0 : i32
      %dma_wait3A_246 = tpu.memref_slice %arg3[%multiple_of3A_125, %dma_wait3A_245] : memref<16384x200xi32, #tpu.memory_space<hbm>> -> memref<136x200xi32, #tpu.memory_space<hbm>>
      tpu.wait_dma2 semaphore(%run_scoped3A : memref<!tpu.dma_semaphore, #tpu.memory_space<semaphore_mem>>) src(%dma_wait3A_246 : memref<136x200xi32, #tpu.memory_space<hbm>>) dst(%arg6 : memref<136x200xi32, #tpu.memory_space<vmem>>)
      tpu.yield
    }) : () -> ()
    %dma_start3A_129 = arith.constant 0 : i32
    %dma_start3A_130 = arith.constant 0 : i32
    %dma_start3A_131 = tpu.memref_slice %arg4[%dma_start3A_129, %dma_start3A_130, %mul3A_122] : memref<10x200x16384xf32, #tpu.memory_space<hbm>> -> memref<10x8x128xf32, #tpu.memory_space<hbm>>
    %dma_start3A_132 = arith.constant 0 : i32
    %dma_start3A_133 = arith.constant 0 : i32
    %dma_start3A_134 = tpu.memref_slice %arg4[%dma_start3A_132, %dma_start3A_133, %mul3A_122] : memref<10x200x16384xf32, #tpu.memory_space<hbm>> -> memref<10x8x128xf32, #tpu.memory_space<hbm>>
    tpu.enqueue_dma source(%arg7 : memref<10x8x128xf32, #tpu.memory_space<vmem>>) target(%dma_start3A_134 : memref<10x8x128xf32, #tpu.memory_space<hbm>>) target_semaphore(%arg9 : memref<!tpu.dma_semaphore, #tpu.memory_space<semaphore_mem>>)
    %dma_start3A_135 = arith.constant 0 : i32
    %dma_start3A_136 = arith.constant 8 : i32
    %dma_start3A_137 = tpu.memref_slice %arg4[%dma_start3A_135, %dma_start3A_136, %mul3A_122] : memref<10x200x16384xf32, #tpu.memory_space<hbm>> -> memref<10x8x128xf32, #tpu.memory_space<hbm>>
    %dma_start3A_138 = arith.constant 0 : i32
    %dma_start3A_139 = arith.constant 8 : i32
    %dma_start3A_140 = tpu.memref_slice %arg4[%dma_start3A_138, %dma_start3A_139, %mul3A_122] : memref<10x200x16384xf32, #tpu.memory_space<hbm>> -> memref<10x8x128xf32, #tpu.memory_space<hbm>>
    tpu.enqueue_dma source(%arg8 : memref<10x8x128xf32, #tpu.memory_space<vmem>>) target(%dma_start3A_140 : memref<10x8x128xf32, #tpu.memory_space<hbm>>) target_semaphore(%arg10 : memref<!tpu.dma_semaphore, #tpu.memory_space<semaphore_mem>>)
    %scan3A_141 = arith.constant 0 : i32
    %scan3A_142 = arith.constant 1 : i32
    %scan3A_143 = arith.constant 11 : i32
    %scan3A_144 = arith.addi %scan3A_142, %scan3A_143 : i32
    %scan3A_145 = arith.constant 1 : i32
    %scan3A_146 = scf.for %scan3A_239 = %scan3A_142 to %scan3A_144 step %scan3A_145 iter_args(%scan3A_240 = %scan3A_141) -> (i32)  : i32 {
      %mul3A_241 = arith.constant 2 : i32
      %mul3A_242 = arith.muli %mul3A_241, %scan3A_239 : i32
      %dma_wait3A_243 = arith.constant 0 : i32
      %dma_wait3A_244 = arith.constant 0 : i32
      %dma_wait3A_245 = arith.constant 0 : i32
      %dma_wait3A_246 = tpu.memref_slice %arg4[%dma_wait3A_243, %dma_wait3A_244, %dma_wait3A_245] : memref<10x200x16384xf32, #tpu.memory_space<hbm>> -> memref<10x8x128xf32, #tpu.memory_space<hbm>>
      %dma_wait3A_247 = arith.constant 0 : i32
      %dma_wait3A_248 = arith.constant 0 : i32
      %dma_wait3A_249 = arith.constant 0 : i32
      %dma_wait3A_250 = tpu.memref_slice %arg4[%dma_wait3A_247, %dma_wait3A_248, %dma_wait3A_249] : memref<10x200x16384xf32, #tpu.memory_space<hbm>> -> memref<10x8x128xf32, #tpu.memory_space<hbm>>
      tpu.wait_dma2 semaphore(%arg9 : memref<!tpu.dma_semaphore, #tpu.memory_space<semaphore_mem>>) src(%arg7 : memref<10x8x128xf32, #tpu.memory_space<vmem>>) dst(%dma_wait3A_250 : memref<10x8x128xf32, #tpu.memory_space<hbm>>)
      %mul3A_251 = arith.constant 8 : i32
      %mul3A_252 = arith.muli %mul3A_242, %mul3A_251 : i32
      %dma_start3A_253 = arith.constant 0 : i32
      %dma_start3A_254 = tpu.memref_slice %arg4[%dma_start3A_253, %mul3A_252, %mul3A_122] : memref<10x200x16384xf32, #tpu.memory_space<hbm>> -> memref<10x8x128xf32, #tpu.memory_space<hbm>>
      %dma_start3A_255 = arith.constant 0 : i32
      %dma_start3A_256 = tpu.memref_slice %arg4[%dma_start3A_255, %mul3A_252, %mul3A_122] : memref<10x200x16384xf32, #tpu.memory_space<hbm>> -> memref<10x8x128xf32, #tpu.memory_space<hbm>>
      tpu.enqueue_dma source(%arg7 : memref<10x8x128xf32, #tpu.memory_space<vmem>>) target(%dma_start3A_256 : memref<10x8x128xf32, #tpu.memory_space<hbm>>) target_semaphore(%arg9 : memref<!tpu.dma_semaphore, #tpu.memory_space<semaphore_mem>>)
      %dma_wait3A_257 = arith.constant 0 : i32
      %dma_wait3A_258 = arith.constant 0 : i32
      %dma_wait3A_259 = arith.constant 0 : i32
      %dma_wait3A_260 = tpu.memref_slice %arg4[%dma_wait3A_257, %dma_wait3A_258, %dma_wait3A_259] : memref<10x200x16384xf32, #tpu.memory_space<hbm>> -> memref<10x8x128xf32, #tpu.memory_space<hbm>>
      %dma_wait3A_261 = arith.constant 0 : i32
      %dma_wait3A_262 = arith.constant 0 : i32
      %dma_wait3A_263 = arith.constant 0 : i32
      %dma_wait3A_264 = tpu.memref_slice %arg4[%dma_wait3A_261, %dma_wait3A_262, %dma_wait3A_263] : memref<10x200x16384xf32, #tpu.memory_space<hbm>> -> memref<10x8x128xf32, #tpu.memory_space<hbm>>
      tpu.wait_dma2 semaphore(%arg10 : memref<!tpu.dma_semaphore, #tpu.memory_space<semaphore_mem>>) src(%arg8 : memref<10x8x128xf32, #tpu.memory_space<vmem>>) dst(%dma_wait3A_264 : memref<10x8x128xf32, #tpu.memory_space<hbm>>)
      %add3A_265 = arith.constant 1 : i32
      %add3A_266 = arith.addi %mul3A_242, %add3A_265 : i32
      %add3A_267 = arith.constant 1 : i32
      %add3A_268 = arith.addi %mul3A_242, %add3A_267 : i32
      %mul3A_269 = arith.constant 8 : i32
      %mul3A_270 = arith.muli %add3A_268, %mul3A_269 : i32
      %dma_start3A_271 = arith.constant 0 : i32
      %dma_start3A_272 = tpu.memref_slice %arg4[%dma_start3A_271, %mul3A_270, %mul3A_122] : memref<10x200x16384xf32, #tpu.memory_space<hbm>> -> memref<10x8x128xf32, #tpu.memory_space<hbm>>
      %dma_start3A_273 = arith.constant 0 : i32
      %dma_start3A_274 = tpu.memref_slice %arg4[%dma_start3A_273, %mul3A_270, %mul3A_122] : memref<10x200x16384xf32, #tpu.memory_space<hbm>> -> memref<10x8x128xf32, #tpu.memory_space<hbm>>
      tpu.enqueue_dma source(%arg8 : memref<10x8x128xf32, #tpu.memory_space<vmem>>) target(%dma_start3A_274 : memref<10x8x128xf32, #tpu.memory_space<hbm>>) target_semaphore(%arg10 : memref<!tpu.dma_semaphore, #tpu.memory_space<semaphore_mem>>)
      %scan3A_275 = arith.constant 0 : i32
      scf.yield %scan3A_275 : i32
    }
    %scan3A_147 = arith.constant 11 : i32
    %dma_wait3A_148 = arith.constant 0 : i32
    %dma_wait3A_149 = arith.constant 0 : i32
    %dma_wait3A_150 = arith.constant 0 : i32
    %dma_wait3A_151 = tpu.memref_slice %arg4[%dma_wait3A_148, %dma_wait3A_149, %dma_wait3A_150] : memref<10x200x16384xf32, #tpu.memory_space<hbm>> -> memref<10x8x128xf32, #tpu.memory_space<hbm>>
    %dma_wait3A_152 = arith.constant 0 : i32
    %dma_wait3A_153 = arith.constant 0 : i32
    %dma_wait3A_154 = arith.constant 0 : i32
    %dma_wait3A_155 = tpu.memref_slice %arg4[%dma_wait3A_152, %dma_wait3A_153, %dma_wait3A_154] : memref<10x200x16384xf32, #tpu.memory_space<hbm>> -> memref<10x8x128xf32, #tpu.memory_space<hbm>>
    tpu.wait_dma2 semaphore(%arg9 : memref<!tpu.dma_semaphore, #tpu.memory_space<semaphore_mem>>) src(%arg7 : memref<10x8x128xf32, #tpu.memory_space<vmem>>) dst(%dma_wait3A_155 : memref<10x8x128xf32, #tpu.memory_space<hbm>>)
    %dma_start3A_156 = arith.constant 0 : i32
    %dma_start3A_157 = arith.constant 192 : i32
    %dma_start3A_158 = tpu.memref_slice %arg4[%dma_start3A_156, %dma_start3A_157, %mul3A_122] : memref<10x200x16384xf32, #tpu.memory_space<hbm>> -> memref<10x8x128xf32, #tpu.memory_space<hbm>>
    %dma_start3A_159 = arith.constant 0 : i32
    %dma_start3A_160 = arith.constant 192 : i32
    %dma_start3A_161 = tpu.memref_slice %arg4[%dma_start3A_159, %dma_start3A_160, %mul3A_122] : memref<10x200x16384xf32, #tpu.memory_space<hbm>> -> memref<10x8x128xf32, #tpu.memory_space<hbm>>
    tpu.enqueue_dma source(%arg7 : memref<10x8x128xf32, #tpu.memory_space<vmem>>) target(%dma_start3A_161 : memref<10x8x128xf32, #tpu.memory_space<hbm>>) target_semaphore(%arg9 : memref<!tpu.dma_semaphore, #tpu.memory_space<semaphore_mem>>)
    %dma_wait3A_162 = arith.constant 0 : i32
    %dma_wait3A_163 = arith.constant 0 : i32
    %dma_wait3A_164 = arith.constant 0 : i32
    %dma_wait3A_165 = tpu.memref_slice %arg4[%dma_wait3A_162, %dma_wait3A_163, %dma_wait3A_164] : memref<10x200x16384xf32, #tpu.memory_space<hbm>> -> memref<10x8x128xf32, #tpu.memory_space<hbm>>
    %dma_wait3A_166 = arith.constant 0 : i32
    %dma_wait3A_167 = arith.constant 0 : i32
    %dma_wait3A_168 = arith.constant 0 : i32
    %dma_wait3A_169 = tpu.memref_slice %arg4[%dma_wait3A_166, %dma_wait3A_167, %dma_wait3A_168] : memref<10x200x16384xf32, #tpu.memory_space<hbm>> -> memref<10x8x128xf32, #tpu.memory_space<hbm>>
    tpu.wait_dma2 semaphore(%arg9 : memref<!tpu.dma_semaphore, #tpu.memory_space<semaphore_mem>>) src(%arg7 : memref<10x8x128xf32, #tpu.memory_space<vmem>>) dst(%dma_wait3A_169 : memref<10x8x128xf32, #tpu.memory_space<hbm>>)
    %dma_wait3A_170 = arith.constant 0 : i32
    %dma_wait3A_171 = arith.constant 0 : i32
    %dma_wait3A_172 = arith.constant 0 : i32
    %dma_wait3A_173 = tpu.memref_slice %arg4[%dma_wait3A_170, %dma_wait3A_171, %dma_wait3A_172] : memref<10x200x16384xf32, #tpu.memory_space<hbm>> -> memref<10x8x128xf32, #tpu.memory_space<hbm>>
    %dma_wait3A_174 = arith.constant 0 : i32
    %dma_wait3A_175 = arith.constant 0 : i32
    %dma_wait3A_176 = arith.constant 0 : i32
    %dma_wait3A_177 = tpu.memref_slice %arg4[%dma_wait3A_174, %dma_wait3A_175, %dma_wait3A_176] : memref<10x200x16384xf32, #tpu.memory_space<hbm>> -> memref<10x8x128xf32, #tpu.memory_space<hbm>>
    tpu.wait_dma2 semaphore(%arg10 : memref<!tpu.dma_semaphore, #tpu.memory_space<semaphore_mem>>) src(%arg8 : memref<10x8x128xf32, #tpu.memory_space<vmem>>) dst(%dma_wait3A_177 : memref<10x8x128xf32, #tpu.memory_space<hbm>>)
    %mul3A_178 = arith.constant 4 : i32
    %mul3A_179 = arith.muli %add3A, %mul3A_178 : i32
    %add3A_180 = arith.constant 3 : i32
    %add3A_181 = arith.addi %mul3A_179, %add3A_180 : i32
    %mul3A_182 = arith.constant 128 : i32
    %mul3A_183 = arith.muli %add3A_181, %mul3A_182 : i32
    %min3A_184 = arith.constant 16248 : i32
    %min3A_185 = arith.minsi %mul3A_183, %min3A_184 : i32
    %multiple_of3A_186 = tpu.assume_multiple %min3A_185, 8 : i32
    %add3A_187 = arith.constant 1 : i32
    %add3A_188 = arith.addi %mul3A_183, %add3A_187 : i32
    %sub3A_189 = arith.subi %add3A_188, %multiple_of3A_186 : i32
    "tpu.region"() ({
      %run_scoped3A = tpu.sem_alloc : memref<!tpu.dma_semaphore, #tpu.memory_space<semaphore_mem>>
      %dma_start3A_239 = arith.constant 0 : i32
      %dma_start3A_240 = tpu.memref_slice %arg3[%multiple_of3A_186, %dma_start3A_239] : memref<16384x200xi32, #tpu.memory_space<hbm>> -> memref<136x200xi32, #tpu.memory_space<hbm>>
      %dma_start3A_241 = arith.constant 0 : i32
      %dma_start3A_242 = tpu.memref_slice %arg3[%multiple_of3A_186, %dma_start3A_241] : memref<16384x200xi32, #tpu.memory_space<hbm>> -> memref<136x200xi32, #tpu.memory_space<hbm>>
      tpu.enqueue_dma source(%dma_start3A_242 : memref<136x200xi32, #tpu.memory_space<hbm>>) target(%arg6 : memref<136x200xi32, #tpu.memory_space<vmem>>) target_semaphore(%run_scoped3A : memref<!tpu.dma_semaphore, #tpu.memory_space<semaphore_mem>>)
      %dma_wait3A_243 = arith.constant 0 : i32
      %dma_wait3A_244 = tpu.memref_slice %arg3[%multiple_of3A_186, %dma_wait3A_243] : memref<16384x200xi32, #tpu.memory_space<hbm>> -> memref<136x200xi32, #tpu.memory_space<hbm>>
      %dma_wait3A_245 = arith.constant 0 : i32
      %dma_wait3A_246 = tpu.memref_slice %arg3[%multiple_of3A_186, %dma_wait3A_245] : memref<16384x200xi32, #tpu.memory_space<hbm>> -> memref<136x200xi32, #tpu.memory_space<hbm>>
      tpu.wait_dma2 semaphore(%run_scoped3A : memref<!tpu.dma_semaphore, #tpu.memory_space<semaphore_mem>>) src(%dma_wait3A_246 : memref<136x200xi32, #tpu.memory_space<hbm>>) dst(%arg6 : memref<136x200xi32, #tpu.memory_space<vmem>>)
      tpu.yield
    }) : () -> ()
    %dma_start3A_190 = arith.constant 0 : i32
    %dma_start3A_191 = arith.constant 0 : i32
    %dma_start3A_192 = tpu.memref_slice %arg4[%dma_start3A_190, %dma_start3A_191, %mul3A_183] : memref<10x200x16384xf32, #tpu.memory_space<hbm>> -> memref<10x8x128xf32, #tpu.memory_space<hbm>>
    %dma_start3A_193 = arith.constant 0 : i32
    %dma_start3A_194 = arith.constant 0 : i32
    %dma_start3A_195 = tpu.memref_slice %arg4[%dma_start3A_193, %dma_start3A_194, %mul3A_183] : memref<10x200x16384xf32, #tpu.memory_space<hbm>> -> memref<10x8x128xf32, #tpu.memory_space<hbm>>
    tpu.enqueue_dma source(%arg7 : memref<10x8x128xf32, #tpu.memory_space<vmem>>) target(%dma_start3A_195 : memref<10x8x128xf32, #tpu.memory_space<hbm>>) target_semaphore(%arg9 : memref<!tpu.dma_semaphore, #tpu.memory_space<semaphore_mem>>)
    %dma_start3A_196 = arith.constant 0 : i32
    %dma_start3A_197 = arith.constant 8 : i32
    %dma_start3A_198 = tpu.memref_slice %arg4[%dma_start3A_196, %dma_start3A_197, %mul3A_183] : memref<10x200x16384xf32, #tpu.memory_space<hbm>> -> memref<10x8x128xf32, #tpu.memory_space<hbm>>
    %dma_start3A_199 = arith.constant 0 : i32
    %dma_start3A_200 = arith.constant 8 : i32
    %dma_start3A_201 = tpu.memref_slice %arg4[%dma_start3A_199, %dma_start3A_200, %mul3A_183] : memref<10x200x16384xf32, #tpu.memory_space<hbm>> -> memref<10x8x128xf32, #tpu.memory_space<hbm>>
    tpu.enqueue_dma source(%arg8 : memref<10x8x128xf32, #tpu.memory_space<vmem>>) target(%dma_start3A_201 : memref<10x8x128xf32, #tpu.memory_space<hbm>>) target_semaphore(%arg10 : memref<!tpu.dma_semaphore, #tpu.memory_space<semaphore_mem>>)
    %scan3A_202 = arith.constant 0 : i32
    %scan3A_203 = arith.constant 1 : i32
    %scan3A_204 = arith.constant 11 : i32
    %scan3A_205 = arith.addi %scan3A_203, %scan3A_204 : i32
    %scan3A_206 = arith.constant 1 : i32
    %scan3A_207 = scf.for %scan3A_239 = %scan3A_203 to %scan3A_205 step %scan3A_206 iter_args(%scan3A_240 = %scan3A_202) -> (i32)  : i32 {
      %mul3A_241 = arith.constant 2 : i32
      %mul3A_242 = arith.muli %mul3A_241, %scan3A_239 : i32
      %dma_wait3A_243 = arith.constant 0 : i32
      %dma_wait3A_244 = arith.constant 0 : i32
      %dma_wait3A_245 = arith.constant 0 : i32
      %dma_wait3A_246 = tpu.memref_slice %arg4[%dma_wait3A_243, %dma_wait3A_244, %dma_wait3A_245] : memref<10x200x16384xf32, #tpu.memory_space<hbm>> -> memref<10x8x128xf32, #tpu.memory_space<hbm>>
      %dma_wait3A_247 = arith.constant 0 : i32
      %dma_wait3A_248 = arith.constant 0 : i32
      %dma_wait3A_249 = arith.constant 0 : i32
      %dma_wait3A_250 = tpu.memref_slice %arg4[%dma_wait3A_247, %dma_wait3A_248, %dma_wait3A_249] : memref<10x200x16384xf32, #tpu.memory_space<hbm>> -> memref<10x8x128xf32, #tpu.memory_space<hbm>>
      tpu.wait_dma2 semaphore(%arg9 : memref<!tpu.dma_semaphore, #tpu.memory_space<semaphore_mem>>) src(%arg7 : memref<10x8x128xf32, #tpu.memory_space<vmem>>) dst(%dma_wait3A_250 : memref<10x8x128xf32, #tpu.memory_space<hbm>>)
      %mul3A_251 = arith.constant 8 : i32
      %mul3A_252 = arith.muli %mul3A_242, %mul3A_251 : i32
      %dma_start3A_253 = arith.constant 0 : i32
      %dma_start3A_254 = tpu.memref_slice %arg4[%dma_start3A_253, %mul3A_252, %mul3A_183] : memref<10x200x16384xf32, #tpu.memory_space<hbm>> -> memref<10x8x128xf32, #tpu.memory_space<hbm>>
      %dma_start3A_255 = arith.constant 0 : i32
      %dma_start3A_256 = tpu.memref_slice %arg4[%dma_start3A_255, %mul3A_252, %mul3A_183] : memref<10x200x16384xf32, #tpu.memory_space<hbm>> -> memref<10x8x128xf32, #tpu.memory_space<hbm>>
      tpu.enqueue_dma source(%arg7 : memref<10x8x128xf32, #tpu.memory_space<vmem>>) target(%dma_start3A_256 : memref<10x8x128xf32, #tpu.memory_space<hbm>>) target_semaphore(%arg9 : memref<!tpu.dma_semaphore, #tpu.memory_space<semaphore_mem>>)
      %dma_wait3A_257 = arith.constant 0 : i32
      %dma_wait3A_258 = arith.constant 0 : i32
      %dma_wait3A_259 = arith.constant 0 : i32
      %dma_wait3A_260 = tpu.memref_slice %arg4[%dma_wait3A_257, %dma_wait3A_258, %dma_wait3A_259] : memref<10x200x16384xf32, #tpu.memory_space<hbm>> -> memref<10x8x128xf32, #tpu.memory_space<hbm>>
      %dma_wait3A_261 = arith.constant 0 : i32
      %dma_wait3A_262 = arith.constant 0 : i32
      %dma_wait3A_263 = arith.constant 0 : i32
      %dma_wait3A_264 = tpu.memref_slice %arg4[%dma_wait3A_261, %dma_wait3A_262, %dma_wait3A_263] : memref<10x200x16384xf32, #tpu.memory_space<hbm>> -> memref<10x8x128xf32, #tpu.memory_space<hbm>>
      tpu.wait_dma2 semaphore(%arg10 : memref<!tpu.dma_semaphore, #tpu.memory_space<semaphore_mem>>) src(%arg8 : memref<10x8x128xf32, #tpu.memory_space<vmem>>) dst(%dma_wait3A_264 : memref<10x8x128xf32, #tpu.memory_space<hbm>>)
      %add3A_265 = arith.constant 1 : i32
      %add3A_266 = arith.addi %mul3A_242, %add3A_265 : i32
      %add3A_267 = arith.constant 1 : i32
      %add3A_268 = arith.addi %mul3A_242, %add3A_267 : i32
      %mul3A_269 = arith.constant 8 : i32
      %mul3A_270 = arith.muli %add3A_268, %mul3A_269 : i32
      %dma_start3A_271 = arith.constant 0 : i32
      %dma_start3A_272 = tpu.memref_slice %arg4[%dma_start3A_271, %mul3A_270, %mul3A_183] : memref<10x200x16384xf32, #tpu.memory_space<hbm>> -> memref<10x8x128xf32, #tpu.memory_space<hbm>>
      %dma_start3A_273 = arith.constant 0 : i32
      %dma_start3A_274 = tpu.memref_slice %arg4[%dma_start3A_273, %mul3A_270, %mul3A_183] : memref<10x200x16384xf32, #tpu.memory_space<hbm>> -> memref<10x8x128xf32, #tpu.memory_space<hbm>>
      tpu.enqueue_dma source(%arg8 : memref<10x8x128xf32, #tpu.memory_space<vmem>>) target(%dma_start3A_274 : memref<10x8x128xf32, #tpu.memory_space<hbm>>) target_semaphore(%arg10 : memref<!tpu.dma_semaphore, #tpu.memory_space<semaphore_mem>>)
      %scan3A_275 = arith.constant 0 : i32
      scf.yield %scan3A_275 : i32
    }
    %scan3A_208 = arith.constant 11 : i32
    %dma_wait3A_209 = arith.constant 0 : i32
    %dma_wait3A_210 = arith.constant 0 : i32
    %dma_wait3A_211 = arith.constant 0 : i32
    %dma_wait3A_212 = tpu.memref_slice %arg4[%dma_wait3A_209, %dma_wait3A_210, %dma_wait3A_211] : memref<10x200x16384xf32, #tpu.memory_space<hbm>> -> memref<10x8x128xf32, #tpu.memory_space<hbm>>
    %dma_wait3A_213 = arith.constant 0 : i32
    %dma_wait3A_214 = arith.constant 0 : i32
    %dma_wait3A_215 = arith.constant 0 : i32
    %dma_wait3A_216 = tpu.memref_slice %arg4[%dma_wait3A_213, %dma_wait3A_214, %dma_wait3A_215] : memref<10x200x16384xf32, #tpu.memory_space<hbm>> -> memref<10x8x128xf32, #tpu.memory_space<hbm>>
    tpu.wait_dma2 semaphore(%arg9 : memref<!tpu.dma_semaphore, #tpu.memory_space<semaphore_mem>>) src(%arg7 : memref<10x8x128xf32, #tpu.memory_space<vmem>>) dst(%dma_wait3A_216 : memref<10x8x128xf32, #tpu.memory_space<hbm>>)
    %dma_start3A_217 = arith.constant 0 : i32
    %dma_start3A_218 = arith.constant 192 : i32
    %dma_start3A_219 = tpu.memref_slice %arg4[%dma_start3A_217, %dma_start3A_218, %mul3A_183] : memref<10x200x16384xf32, #tpu.memory_space<hbm>> -> memref<10x8x128xf32, #tpu.memory_space<hbm>>
    %dma_start3A_220 = arith.constant 0 : i32
    %dma_start3A_221 = arith.constant 192 : i32
    %dma_start3A_222 = tpu.memref_slice %arg4[%dma_start3A_220, %dma_start3A_221, %mul3A_183] : memref<10x200x16384xf32, #tpu.memory_space<hbm>> -> memref<10x8x128xf32, #tpu.memory_space<hbm>>
    tpu.enqueue_dma source(%arg7 : memref<10x8x128xf32, #tpu.memory_space<vmem>>) target(%dma_start3A_222 : memref<10x8x128xf32, #tpu.memory_space<hbm>>) target_semaphore(%arg9 : memref<!tpu.dma_semaphore, #tpu.memory_space<semaphore_mem>>)
    %dma_wait3A_223 = arith.constant 0 : i32
    %dma_wait3A_224 = arith.constant 0 : i32
    %dma_wait3A_225 = arith.constant 0 : i32
    %dma_wait3A_226 = tpu.memref_slice %arg4[%dma_wait3A_223, %dma_wait3A_224, %dma_wait3A_225] : memref<10x200x16384xf32, #tpu.memory_space<hbm>> -> memref<10x8x128xf32, #tpu.memory_space<hbm>>
    %dma_wait3A_227 = arith.constant 0 : i32
    %dma_wait3A_228 = arith.constant 0 : i32
    %dma_wait3A_229 = arith.constant 0 : i32
    %dma_wait3A_230 = tpu.memref_slice %arg4[%dma_wait3A_227, %dma_wait3A_228, %dma_wait3A_229] : memref<10x200x16384xf32, #tpu.memory_space<hbm>> -> memref<10x8x128xf32, #tpu.memory_space<hbm>>
    tpu.wait_dma2 semaphore(%arg9 : memref<!tpu.dma_semaphore, #tpu.memory_space<semaphore_mem>>) src(%arg7 : memref<10x8x128xf32, #tpu.memory_space<vmem>>) dst(%dma_wait3A_230 : memref<10x8x128xf32, #tpu.memory_space<hbm>>)
    %dma_wait3A_231 = arith.constant 0 : i32
    %dma_wait3A_232 = arith.constant 0 : i32
    %dma_wait3A_233 = arith.constant 0 : i32
    %dma_wait3A_234 = tpu.memref_slice %arg4[%dma_wait3A_231, %dma_wait3A_232, %dma_wait3A_233] : memref<10x200x16384xf32, #tpu.memory_space<hbm>> -> memref<10x8x128xf32, #tpu.memory_space<hbm>>
    %dma_wait3A_235 = arith.constant 0 : i32
    %dma_wait3A_236 = arith.constant 0 : i32
    %dma_wait3A_237 = arith.constant 0 : i32
    %dma_wait3A_238 = tpu.memref_slice %arg4[%dma_wait3A_235, %dma_wait3A_236, %dma_wait3A_237] : memref<10x200x16384xf32, #tpu.memory_space<hbm>> -> memref<10x8x128xf32, #tpu.memory_space<hbm>>
    tpu.wait_dma2 semaphore(%arg10 : memref<!tpu.dma_semaphore, #tpu.memory_space<semaphore_mem>>) src(%arg8 : memref<10x8x128xf32, #tpu.memory_space<vmem>>) dst(%dma_wait3A_238 : memref<10x8x128xf32, #tpu.memory_space<hbm>>)
    return
  }
}

module attributes {stable_mosaic.version = 14 : i64} {
  func.func @body(%arg0: memref<100x16xf32, #tpu.memory_space<vmem>>, %arg1: memref<1x16xf32, #tpu.memory_space<vmem>>, %arg2: memref<1x16xf32, #tpu.memory_space<vmem>>, %arg3: memref<100x16xf32, #tpu.memory_space<vmem>>) attributes {dimension_semantics = [], scalar_prefetch = 0 : i64, scratch_operands = 0 : i64, tpu.core_type = #tpu.core_type<tc>} {
    %get3A = arith.constant 0 : index
    %get3A_0 = arith.constant 0 : index
    %get3A_1 = vector.load %arg0[%get3A, %get3A_0] : memref<100x16xf32, #tpu.memory_space<vmem>>, vector<100x16xf32>
    %reduce_sum3A = arith.constant dense<0.000000e+00> : vector<100xf32>
    %reduce_sum3A_2 = vector.multi_reduction <add>, %get3A_1, %reduce_sum3A [1] : vector<100x16xf32> to vector<100xf32>
    %broadcast_in_dim3A = vector.shape_cast %reduce_sum3A_2 : vector<100xf32> to vector<100x1xf32>
    %mul3A = arith.constant 1.000000e-01 : f32
    %mul3A_3 = vector.broadcast %mul3A : f32 to vector<100x1xf32>
    %mul3A_4 = arith.mulf %broadcast_in_dim3A, %mul3A_3 : vector<100x1xf32>
    %iota3A = tpu.iota {dimensions = array<i32: 1>} : vector<100x16xi32>
    %lt3A = arith.constant 10 : i32
    %lt3A_5 = vector.broadcast %lt3A : i32 to vector<100x16xi32>
    %lt3A_6 = arith.cmpi slt, %iota3A, %lt3A_5 : vector<100x16xi32>
    %sub3A = vector.broadcast %mul3A_4 : vector<100x1xf32> to vector<100x16xf32>
    %sub3A_7 = arith.subf %get3A_1, %sub3A : vector<100x16xf32>
    %jit3A = arith.constant 0.000000e+00 : f32
    %broadcast_in_dim3A_8 = vector.broadcast %jit3A : f32 to vector<100x16xf32>
    %select_n3A = arith.select %lt3A_6, %sub3A_7, %broadcast_in_dim3A_8 : vector<100x16xi1>, vector<100x16xf32>
    %mul3A_9 = arith.mulf %select_n3A, %select_n3A : vector<100x16xf32>
    %reduce_sum3A_10 = arith.constant dense<0.000000e+00> : vector<100xf32>
    %reduce_sum3A_11 = vector.multi_reduction <add>, %mul3A_9, %reduce_sum3A_10 [1] : vector<100x16xf32> to vector<100xf32>
    %broadcast_in_dim3A_12 = vector.shape_cast %reduce_sum3A_11 : vector<100xf32> to vector<100x1xf32>
    %mul3A_13 = arith.constant 1.000000e-01 : f32
    %mul3A_14 = vector.broadcast %mul3A_13 : f32 to vector<100x1xf32>
    %mul3A_15 = arith.mulf %broadcast_in_dim3A_12, %mul3A_14 : vector<100x1xf32>
    %add3A = arith.constant 9.99999974E-6 : f32
    %add3A_16 = vector.broadcast %add3A : f32 to vector<100x1xf32>
    %add3A_17 = arith.addf %mul3A_15, %add3A_16 : vector<100x1xf32>
    %rsqrt3A = math.rsqrt %add3A_17 : vector<100x1xf32>
    %mul3A_18 = vector.broadcast %rsqrt3A : vector<100x1xf32> to vector<100x16xf32>
    %mul3A_19 = arith.mulf %select_n3A, %mul3A_18 : vector<100x16xf32>
    %get3A_20 = arith.constant 0 : index
    %get3A_21 = arith.constant 0 : index
    %get3A_22 = vector.load %arg1[%get3A_20, %get3A_21] : memref<1x16xf32, #tpu.memory_space<vmem>>, vector<1x16xf32>
    %mul3A_23 = vector.broadcast %get3A_22 : vector<1x16xf32> to vector<100x16xf32>
    %mul3A_24 = arith.mulf %mul3A_19, %mul3A_23 : vector<100x16xf32>
    %get3A_25 = arith.constant 0 : index
    %get3A_26 = arith.constant 0 : index
    %get3A_27 = vector.load %arg2[%get3A_25, %get3A_26] : memref<1x16xf32, #tpu.memory_space<vmem>>, vector<1x16xf32>
    %add3A_28 = vector.broadcast %get3A_27 : vector<1x16xf32> to vector<100x16xf32>
    %add3A_29 = arith.addf %mul3A_24, %add3A_28 : vector<100x16xf32>
    %swap3A = arith.constant 0 : index
    %swap3A_30 = arith.constant 0 : index
    %swap3A_31 = vector.load %arg3[%swap3A, %swap3A_30] : memref<100x16xf32, #tpu.memory_space<vmem>>, vector<100x16xf32>
    tpu.vector_store %arg3[%swap3A, %swap3A_30], %add3A_29 {strides = array<i32>} : memref<100x16xf32, #tpu.memory_space<vmem>>, vector<100x16xf32>,
    return
  }
}

</mosaic_0001>

<sc_bundles>
// kernel: kernel.4.cloned.1.call-start
scs
__scs_entry_jumppad:
0x0: {  	(pc) =	sbr.rel $0x88, $3  }
0x1: {  	(tag) =	ssettag $0x0;
	lr =	simm.s32 $0x1  }
0x2: {  	[smem:$0x3F9D] =	sst lr;
	_ =	strace $0xD0000000  }
0x3: {  	_ = 	snop  }
0x4: {  	_ = 	snop  }
0x5: {  	_ = 	snop  }
0x6: {  	_ = 	snop  }
0x7: {  	_ = 	snop  }
__scs_overlays_trampoline_lowered:
0x8: {  	[smem:$0x3FAC] =	sst s0  }
0x9: {  	[smem:$0x3FAD] =	sst s1  }
0xa: {  	[smem:$0x3FAE] =	sst s2  }
0xb: {  	[smem:$0x3FAF] =	sst s3  }
0xc: {  	[smem:$0x3FB0] =	sst s4  }
0xd: {  	[smem:$0x3FB1] =	sst s5  }
0xe: {  	[smem:$0x3FB2] =	sst s6  }
0xf: {  	[smem:$0x3FB3] =	sst s7  }
0x10: {  	[smem:$0x3FB4] =	sst s8  }
0x11: {  	[smem:$0x3FB5] =	sst s9;
	s0 =	simm.s32 @!p0 $0x0  }
0x12: {  	s1 =	sld [smem:$0x3F9B];
	s0 =	simm.s32 @p0 $0x1  }
0x13: {  	[smem:$0x3FB6] =	sst s0;
	s0 =	simm.s32 @!p1 $0x0  }
0x14: {  	s2 =	sld [smem:$0x3F9A];
	s0 =	simm.s32 @p1 $0x1  }
0x15: {  	[smem:$0x3FB7] =	sst s0;
	s0 =	simm.s32 @!p2 $0x0  }
0x16: {  	s3 =	sld [smem:$0x3FDB];
	s0 =	simm.s32 @p2 $0x1  }
0x17: {  	s4 =	simm.s32 $0x1BF5;
	[smem:$0x3FB9] =	sst s0  }
0x18: {  	s0 =	sld [smem:$0x3F9C];
	_ =	swait.ge [sflag:s4], $0x0  }
0x19: {  	s7 =	sld [smem:$0x3F9D]  }
0x1a: {  	s8 =	sadd.s32 $0xFFFFE003, lr  }
0x1b: {  	s9 =	sadd.s32 $0xFFFFFEF7, lr;
	s5 =	simm.s32 $0xFFFFFFFF;
	p2 =	slt.u32 s8, $0xFFFFF086  }
0x1c: {  	p1 =	slt.u32 s9, $0xF7A;
	s5 =	simm.s32 @!p2 $0x0  }
0x1d: {  	s5 =	simm.s32 @p1 $0x1;
	p0 =	seq.s32 s7, s2  }
0x1e: {  	s7 =	smul.u32 @!p0 $0xF7A, s2;
	p2 =	seq.s32 @!p0 s5, $0x0  }
0x1f: {  	s9 =	smul.u32 $0xF7A, s1;
	s8 =	simm.s32 @!p0 $0x1BF5;
	p2 =	por !p2, p0  }
0x20: {  	[sflag:s8] =	ssyncset.s32 @!p0 $0xFFFFF086;
	s6 =	sadd.s32 @!p0 s3, s7;
	s7 =	simm.s32 @!p0 $0x108  }
0x21: {  	s3 =	sadd.s32 s3, s9;
	s6 =	sadd.s32 @!p0 $0x88, s6;
	s7 =	simm.s32 @p2 $0x1082  }
0x22: {  	[simem:s7], [sflag:s8] =	dma.local @!p0 [hbm:s6], $0xF7A  }
0x23: {  	s9 =	sor.u32 $0xD0000000, s2;
	s6 =	simm.s32 $0x108;
	_ =	swait.ge @!p0 [sflag:s8], $0x0  }
0x24: {  	s3 =	sadd.s32 $0x88, s3;
	s6 =	simm.s32 @!p1 $0x1082;
	[sflag:s4] =	ssyncset.s32 $0xFFFFF086  }
0x25: {  	[simem:s6], [sflag:s4] =	dma.local [hbm:s3], $0xF7A  }
0x26: {  	[smem:$0x3F9D] =	sst s1;
	(tag) =	ssettag s2;
	_ =	strace s9  }
0x27: {  	s1 =	sld [smem:$0x3FAD]  }
0x28: {  	s2 =	sld [smem:$0x3FAE]  }
0x29: {  	s4 =	sld [smem:$0x3FB0]  }
0x2a: {  	p0 =	seq.s32 s5, $0x0;
	s5 =	sld [smem:$0x3FB1]  }
0x2b: {  	s6 =	sld [smem:$0x3FB2]  }
0x2c: {  	s7 =	sld [smem:$0x3FB3]  }
0x2d: {  	s3 =	simm.s32 $0x108;
	s8 =	sld [smem:$0x3FB4]  }
0x2e: {  	s3 =	simm.s32 @!p0 $0x1082;
	s9 =	sld [smem:$0x3FB5]  }
0x2f: {  	lr =	sadd.s32 s0, s3;
	s0 =	sld [smem:$0x3FAC]  }
0x30: {  	s3 =	sld [smem:$0x3FAF]  }
0x31: {  	[smem:$0x3FB8] =	sst s10  }
0x32: {  	s10 =	sld [smem:$0x3FB6];
	_ =	sdelay $0x3  }
0x33: {  	p0 =	seq.s32 s10, $0x1;
	s10 =	sld [smem:$0x3FB8];
	_ =	sdelay $0x3  }
0x34: {  	[smem:$0x3FB8] =	sst s10  }
0x35: {  	s10 =	sld [smem:$0x3FB7];
	_ =	sdelay $0x3  }
0x36: {  	p1 =	seq.s32 s10, $0x1;
	s10 =	sld [smem:$0x3FB8];
	_ =	sdelay $0x3  }
0x37: {  	[smem:$0x3FB8] =	sst s10  }
0x38: {  	s10 =	sld [smem:$0x3FB9]  }
0x39: {  	_ = 	snop;
	(pc) =	sbr.ind lr, $3  }
0x3a: {  	_ = 	snop  }
0x3b: {  	_ = 	snop  }
0x3c: {  	p2 =	seq.s32 s10, $0x1;
	s10 =	sld [smem:$0x3FB8]  }
0x3d: {  	_ =	shalt  }
0x3e: {  	_ =	shalt  }
0x3f: {  	_ =	shalt  }
0x40: {  	_ =	shalt  }
0x41: {  	_ =	shalt  }
0x42: {  	_ =	shalt  }
0x43: {  	_ =	shalt  }
0x44: {  	_ =	shalt  }
0x45: {  	_ =	shalt  }
0x46: {  	_ =	shalt  }
0x47: {  	_ =	shalt  }
0x48: {  	_ =	shalt  }
0x49: {  	_ =	shalt  }
0x4a: {  	_ =	shalt  }
0x4b: {  	_ =	shalt  }
0x4c: {  	_ =	shalt  }
0x4d: {  	_ =	shalt  }
0x4e: {  	_ =	shalt  }
0x4f: {  	_ =	shalt  }
0x50: {  	_ =	shalt  }
0x51: {  	_ =	shalt  }
0x52: {  	_ =	shalt  }
0x53: {  	_ =	shalt  }
0x54: {  	_ =	shalt  }
0x55: {  	_ =	shalt  }
0x56: {  	_ =	shalt  }
0x57: {  	_ =	shalt  }
0x58: {  	_ =	shalt  }
0x59: {  	_ =	shalt  }
0x5a: {  	_ =	shalt  }
0x5b: {  	_ =	shalt  }
0x5c: {  	_ =	shalt  }
0x5d: {  	_ =	shalt  }
0x5e: {  	_ =	shalt  }
0x5f: {  	_ =	shalt  }
0x60: {  	_ =	shalt  }
0x61: {  	_ =	shalt  }
0x62: {  	_ =	shalt  }
0x63: {  	_ =	shalt  }
0x64: {  	_ =	shalt  }
0x65: {  	_ =	shalt  }
0x66: {  	_ =	shalt  }
0x67: {  	_ =	shalt  }
0x68: {  	_ =	shalt  }
0x69: {  	_ =	shalt  }
0x6a: {  	_ =	shalt  }
0x6b: {  	_ =	shalt  }
0x6c: {  	_ =	shalt  }
0x6d: {  	_ =	shalt  }
0x6e: {  	_ =	shalt  }
0x6f: {  	_ =	shalt  }
0x70: {  	_ =	shalt  }
0x71: {  	_ =	shalt  }
0x72: {  	_ =	shalt  }
0x73: {  	_ =	shalt  }
0x74: {  	_ =	shalt  }
0x75: {  	_ =	shalt  }
0x76: {  	_ =	shalt  }
0x77: {  	_ =	shalt  }
0x78: {  	_ =	shalt  }
0x79: {  	_ =	shalt  }
0x7a: {  	_ =	shalt  }
0x7b: {  	_ =	shalt  }
0x7c: {  	_ =	shalt  }
0x7d: {  	_ =	shalt  }
0x7e: {  	_ =	shalt  }
0x7f: {  	_ =	shalt  }
0x80: {  	_ =	shalt  }
0x81: {  	_ =	shalt  }
0x82: {  	_ =	shalt  }
0x83: {  	_ =	shalt  }
0x84: {  	_ =	shalt  }
0x85: {  	_ =	shalt  }
0x86: {  	_ =	shalt  }
0x87: {  	_ =	shalt  }
.Lfunc_end0:
.L_simem_size_0:
called_computation_lowered:
.L_overlay_start_0:
0x88: {  	s2 =	sld [smem:$0x3FD9]  }
0x89: {  	s3 =	sld [smem:$0x3FFE];
	_ =	sdelay $0x1  }
0x8a: {  	s1 =	srdreg.scid  }
0x8b: {  	s0 =	sand.u32 $0x1, s1  }
0x8c: {  	s17 =	sshll.u32 s0, $0xA;
	s2 =	sadd.s32 s3, s2  }
0x8d: {  	s2 =	sadd.s32 s2, s17  }
0x8e: {  	[smem:$0x3FC4] =	sst s2  }
0x8f: {  	_ = 	snop  }
0x90: {  	s2 =	sld [smem:$0x3FD0];
	(tm) =	ssettm $0x1  }
0x91: {  	s18 =	sld [smem:$0x3FFB];
	_ =	sdelay $0x3  }
0x92: {  	_ =	strace s18  }
0x93: {  	s3 =	sld [smem:$0x3FFC];
	_ =	sdelay $0x3  }
0x94: {  	_ =	strace s3  }
0x95: {  	s3 =	sld [smem:$0x3FFD];
	_ =	sdelay $0x3  }
0x96: {  	_ =	strace s3  }
0x97: {  	_ =	strace $0x8FFFFFFF  }
0x98: {  	s19 =	sld [smem:$0x3FDB];
	_ =	sdelay $0x1  }
0x99: {  	s4 =	simm.s32 $_scs_section_size  }
0x9a: {  	s5 =	simm.s32 $_size__tile_overlayer_lowered;
	s6 =	simm.s32 $_tile_overlayer_lowered  }
0x9b: {  	s22 =	simm.s32 $0x1BFF;
	s21 =	sshll.u32 s6, $0x1;
	s3 =	sadd.s32 s4, s19  }
0x9c: {  	s7 =	simm.s32 $0x0;
	s20 =	sshll.u32 s5, $0x1;
	s5 =	sadd.s32 s21, s3  }
0x9d: {  	[timem:s7], [sflag:s22] =	dma.local [hbm:s5], s20  }
0x9e: {  	_ =	swait.ge [sflag:s22], s20  }
0x9f: {  	s4 =	ssub.s32 $0x0, s20;
	[sflag:s22] =	ssyncset.done $0x0  }
0xa0: {  	[sflag:s22] =	ssyncadd.s32 s4;
	_ =	sdelay $0x1  }
0xa1: {  	s23 =	simm.s32 $0x1B8B  }
0xa2: {  	_ =	swait.ge [sflag:s23], $0x1  }
0xa3: {  	[sflag:s23] =	ssyncset.done $0x0  }
0xa4: {  	s25 =	simm.s32 $0x1B8E;
	s24 =	sld [smem:$0x3FFE];
	[sflag:s23] =	ssyncadd.s32 $0xFFFFFFFF  }
0xa5: {  	s26 =	simm.s32 $execute0_lowered;
	[smem:$0x3FD2] =	sst s25  }
0xa6: {  	s5 =	sshll.u32 s26, $0x1;
	_ =	strace $0x80000046;
	[dreg:$0x1] =	wrdreg $0xFFFFFFFF  }
0xa7: {  	s28 =	simm.s32 $_size_execute0_lowered;
	s3 =	sadd.s32 s3, s5;
	[dreg:$0x0] =	wrdreg $0x0  }
0xa8: {  	s5 =	sshll.u32 s28, $0x1;
	[dreg:$0x2] =	wrdreg s3  }
0xa9: {  	[dreg:$0x3] =	wrdreg s5  }
0xaa: {  	[dreg:$0x4] =	wrdreg $0xC0  }
0xab: {  	_ =	task [dreg:s7], $0x5FFFF  }
0xac: {  	[dreg:$0x1] =	wrdreg $0xFFFFFFFF  }
0xad: {  	[dreg:$0x0] =	wrdreg $0x60  }
0xae: {  	[dreg:$0x2] =	wrdreg s24  }
0xaf: {  	[dreg:$0x3] =	wrdreg s2  }
0xb0: {  	[dreg:$0x4] =	wrdreg $0x9  }
0xb1: {  	_ =	task.clear_ibuf [dreg:s7], $0x5FFFF;
	_ =	strace $0x90000046  }
0xb2: {  	s29 =	simm.s32 $0x9;
	_ =	strace $0x80000048  }
0xb3: {  	_ =	swait.ge [sflag:s29], $0x1  }
0xb4: {  	[sflag:s29] =	ssyncadd.s32 $0xFFFFFFFF  }
0xb5: {  	_ =	strace $0x90000048  }
0xb6: {  	_ =	sfence  }
0xb7: {  	s30 =	sld [smem:$0x0];
	_ =	sdelay $0x2  }
0xb8: {  	s31 =	sshll.u32 s1, $0xD;
	s1 =	sshrl.u32 s1, $0x2  }
0xb9: {  	s3 =	sand.u32 $0x4000, s31;
	s1 =	sadd.s32 s1, s30  }
0xba: {  	s0 =	sor.u32 s3, s0;
	s1 =	sshll.u32 s1, $0x11  }
0xbb: {  	s0 =	sor.u32 s1, s0  }
0xbc: {  	s0 =	sadd.s32 $0x8F2B, s0  }
0xbd: {  	[sflag:s0] =	ssyncadd.remote.s32 $0x1  }
0xbe: {  	_ =	sfence.sel $0xFFFF  }
0xbf: {  	[dreg:$0x0] =	wrdreg $0xFFFFFFFF;
	(pc) =	sbr.abs _section_cstart, $3  }
0xc0: {  	[dreg:$0x1] =	wrdreg $0xFFFFFFFF  }
0xc1: {  	_ =	task.clear_ibuf [dreg:s7], $0x2FFFF;
	_ =	strace $0x9FFFFFFF  }
0xc2: {  	(tm) =	ssettm $0x7FFFFFFF  }
0xc3: {  	_ =	shalt  }
tec
execute0_lowered:
.L_overlay_start_1:
0x0: {  	(tag) =	ssettag $0x1  }
0x1: {  	s0 =	rddreg [dreg:$0x0]  }
0x2: {  	s1 =	rddreg [dreg:$0x1];
	s2 =	simm.s32 $0x0;
	s3 =	srdreg.scid  }
0x3: {  	s18 =	stileid.u32;
	s22 =	simm.s32 $0x3;
	s23 =	simm.s32 $0x680  }
0x4: {  	s28 =	simm.s32 $0xB680;
	s29 =	simm.s32 $0x1;
	s30 =	simm.s32 $0x2  }
0x5: {  	s31 =	simm.s32 $0x0;
	[smem:$0x7FF] =	sst s2;
	s19 =	sand.u32 $0x1, s3  }
0x6: {  	s4 =	sshll.u32 s18, $0x1;
	s24 =	sadd.s32 $0x200, s0;
	s0 =	sadd.s32 $0x400, s0  }
0x7: {  	s25 =	sshll.u32 s18, $0xA;
	_ =	strace $0x80000047;
	[dreg:$0x3] =	wrdreg s24  }
0x8: {  	s5 =	ssub.s32 $0x2, s19;
	s4 =	sor.u32 s19, s4;
	s26 =	sshll.u32 s19, $0x9  }
0x9: {  	s24 =	simm.s32 $0x400;
	s6 =	sshrl.u32 s5, $0x1;
	s12 =	sshll.u32 s4, $0x9  }
0xa: {  	s4 =	sshll.u32 s4, $0xE;
	s20 =	ssub.s32 s5, s6;
	s9 =	sor.u32 $0x80, s12  }
0xb: {  	s4 =	sadd.s32 s0, s4;
	s5 =	sadd.s32 s1, s12;
	s13 =	sor.u32 $0x100, s12  }
0xc: {  	s17 =	sor.u32 $0x180, s12;
	s8 =	sshll.u32 s9, $0x5;
	s6 =	sadd.s32 $0x4000, s5  }
0xd: {  	s7 =	sadd.s32 $0x60000, s5;
	s9 =	sadd.s32 s1, s9;
	s10 =	sadd.s32 $0x4080, s5  }
0xe: {  	s11 =	sadd.s32 $0x60080, s5;
	s14 =	sshll.u32 s13, $0x5;
	s13 =	sadd.s32 s1, s13  }
0xf: {  	s16 =	smin.u32 s17, $0x3F78;
	s15 =	sadd.s32 $0x60100, s5;
	s17 =	sadd.s32 s1, s17  }
0x10: {  	s18 =	sadd.s32 $0x4180, s5;
	s19 =	sadd.s32 $0x60180, s5;
	s20 =	smax.u32 s20, $0x1  }
0x11: {  	s8 =	sadd.s32 s0, s8;
	s12 =	sadd.s32 s0, s14;
	s16 =	sshll.u32 s16, $0x5  }
0x12: {  	s14 =	sadd.s32 $0x4100, s5;
	s16 =	sadd.s32 s0, s16;
	s0 =	sadd.s32 s25, s1  }
0x13: {  	s25 =	simm.s32 $0x320000;
	s21 =	sadd.s32 s26, s0;
	s26 =	simm.s32 $0x8E80  }
.LBB2_1:
0x14: {  	s0 =	rddreg [dreg:$0x3]  }
0x15: {  	[tilespmem:s2], [sflag:$0x3] =	stream.linear.gather [hbm4b:s0+s2], $0x680, $0x38;
	[tilespmem:$0xDE80] =	vst v63  }
0x16: {  	_ =	swait.ge [sflag:s22], $0x680  }
0x17: {  	[sflag:s22] =	ssyncset.done $0x0  }
0x18: {  	[sflag:s22] =	ssyncadd.s32 $0xFFFFF980  }
0x19: {  	[tilespmem:s23], [sflag:$0x3] =	stream.linear.gather [hbm4b:s4+s2], $0x8800, $0x38;
	[tilespmem:$0xDE80] =	vst v63  }
0x1a: {  	_ =	swait.ge [sflag:s22], $0x8800  }
0x1b: {  	[sflag:s22] =	ssyncset.done $0x0  }
0x1c: {  	[sflag:s22] =	ssyncadd.s32 $0xFFFF7800  }
0x1d: {  	[hbm4b:s5+s24] =	stream.strided.scatter [tilespmem:s26], [sflag:$0x1], $0x2800, s25, s24, $0x38;
	[tilespmem:$0xDE80] =	vst v63  }
0x1e: {  	_ = 	snop  }
0x1f: {  	[hbm4b:s6+s24] =	stream.strided.scatter [tilespmem:s28], [sflag:$0x2], $0x2800, s25, s24, $0x38;
	[tilespmem:$0xDE80] =	vst v63  }
0x20: {  	_ =	swait.ge [sflag:s29], $0x2800  }
0x21: {  	s1 =	sadd.s32 $0xFFFA8000, s21;
	[sflag:s29] =	ssyncset.done $0x0  }
0x22: {  	s3 =	sadd.s32 $0x60000, s1;
	[sflag:s29] =	ssyncadd.s32 $0xFFFFD800  }
0x23: {  	[hbm4b:s3+s24] =	stream.strided.scatter [tilespmem:s26], [sflag:$0x1], $0x2800, s25, s24, $0x38;
	[tilespmem:$0xDE80] =	vst v63  }
0x24: {  	_ =	swait.ge [sflag:s30], $0x2800  }
0x25: {  	[sflag:s30] =	ssyncset.done $0x0  }
0x26: {  	s0 =	simm.s32 $0xFFFB0000;
	s1 =	sadd.s32 $0x64000, s1;
	[sflag:s30] =	ssyncadd.s32 $0xFFFFD800  }
.LBB2_2:
0x27: {  	[hbm4b:s1+s24] =	stream.strided.scatter [tilespmem:s28], [sflag:$0x2], $0x2800, s25, s24, $0x38;
	[tilespmem:$0xDE80] =	vst v63  }
0x28: {  	s1 =	smov.u32 s0  }
0x29: {  	p0 =	sne.s32 s0, $0xFFFF8000;
	s0 =	sadd.s32 $0x8000, s0;
	_ =	swait.ge [sflag:s29], $0x2800  }
0x2a: {  	s1 =	sadd.s32 s1, s21;
	[sflag:s29] =	ssyncset.done $0x0  }
.Ltmp0:
0x2b: {  	s3 =	sadd.s32 $0x60000, s1;
	[sflag:s29] =	ssyncadd.s32 $0xFFFFD800;
	(pc) =	sbr.rel @p0 .LBB2_2-.Ltmp0, $4  }
0x2c: {  	[hbm4b:s3+s24] =	stream.strided.scatter [tilespmem:s26], [sflag:$0x1], $0x2800, s25, s24, $0x38;
	[tilespmem:$0xDE80] =	vst v63  }
0x2d: {  	_ =	swait.ge [sflag:s30], $0x2800  }
0x2e: {  	[sflag:s30] =	ssyncset.done $0x0  }
0x2f: {  	s1 =	sadd.s32 $0x64000, s1;
	[sflag:s30] =	ssyncadd.s32 $0xFFFFD800  }
0x30: {  	[hbm4b:s1+s24] =	stream.strided.scatter [tilespmem:s28], [sflag:$0x2], $0x2800, s25, s24, $0x38;
	[tilespmem:$0xDE80] =	vst v63  }
0x31: {  	_ =	swait.ge [sflag:s29], $0x2800  }
0x32: {  	[sflag:s29] =	ssyncset.done $0x0  }
0x33: {  	[sflag:s29] =	ssyncadd.s32 $0xFFFFD800  }
0x34: {  	[hbm4b:s7+s24] =	stream.strided.scatter [tilespmem:s26], [sflag:$0x1], $0x2800, s25, s24, $0x38;
	[tilespmem:$0xDE80] =	vst v63  }
0x35: {  	_ =	swait.ge [sflag:s29], $0x2800  }
0x36: {  	[sflag:s29] =	ssyncset.done $0x0  }
0x37: {  	[sflag:s29] =	ssyncadd.s32 $0xFFFFD800  }
0x38: {  	_ =	swait.ge [sflag:s30], $0x2800  }
0x39: {  	[sflag:s30] =	ssyncset.done $0x0  }
0x3a: {  	[sflag:s30] =	ssyncadd.s32 $0xFFFFD800  }
0x3b: {  	[tilespmem:s23], [sflag:$0x3] =	stream.linear.gather [hbm4b:s8+s2], $0x8800, $0x38;
	[tilespmem:$0xDE80] =	vst v63  }
0x3c: {  	_ =	swait.ge [sflag:s22], $0x8800  }
0x3d: {  	[sflag:s22] =	ssyncset.done $0x0  }
0x3e: {  	[sflag:s22] =	ssyncadd.s32 $0xFFFF7800  }
0x3f: {  	[hbm4b:s9+s24] =	stream.strided.scatter [tilespmem:s26], [sflag:$0x1], $0x2800, s25, s24, $0x38;
	[tilespmem:$0xDE80] =	vst v63  }
0x40: {  	_ = 	snop  }
0x41: {  	[hbm4b:s10+s24] =	stream.strided.scatter [tilespmem:s28], [sflag:$0x2], $0x2800, s25, s24, $0x38;
	[tilespmem:$0xDE80] =	vst v63  }
0x42: {  	_ =	swait.ge [sflag:s29], $0x2800  }
0x43: {  	s3 =	sadd.s32 $0xFFFA8000, s21;
	[sflag:s29] =	ssyncset.done $0x0  }
0x44: {  	s0 =	sadd.s32 $0x60080, s3;
	[sflag:s29] =	ssyncadd.s32 $0xFFFFD800  }
0x45: {  	[hbm4b:s0+s24] =	stream.strided.scatter [tilespmem:s26], [sflag:$0x1], $0x2800, s25, s24, $0x38;
	[tilespmem:$0xDE80] =	vst v63  }
0x46: {  	_ =	swait.ge [sflag:s30], $0x2800  }
0x47: {  	[sflag:s30] =	ssyncset.done $0x0  }
0x48: {  	s1 =	sadd.s32 $0x64080, s3;
	s0 =	simm.s32 $0xFFFB0000;
	[sflag:s30] =	ssyncadd.s32 $0xFFFFD800  }
.LBB2_4:
0x49: {  	[hbm4b:s1+s24] =	stream.strided.scatter [tilespmem:s28], [sflag:$0x2], $0x2800, s25, s24, $0x38;
	[tilespmem:$0xDE80] =	vst v63  }
0x4a: {  	s1 =	smov.u32 s0  }
0x4b: {  	p0 =	sne.s32 s0, $0xFFFF8000;
	s0 =	sadd.s32 $0x8000, s0;
	_ =	swait.ge [sflag:s29], $0x2800  }
0x4c: {  	s1 =	sadd.s32 s1, s21;
	[sflag:s29] =	ssyncset.done $0x0  }
.Ltmp1:
0x4d: {  	s3 =	sadd.s32 $0x60080, s1;
	[sflag:s29] =	ssyncadd.s32 $0xFFFFD800;
	(pc) =	sbr.rel @p0 .LBB2_4-.Ltmp1, $4  }
0x4e: {  	[hbm4b:s3+s24] =	stream.strided.scatter [tilespmem:s26], [sflag:$0x1], $0x2800, s25, s24, $0x38;
	[tilespmem:$0xDE80] =	vst v63  }
0x4f: {  	_ =	swait.ge [sflag:s30], $0x2800  }
0x50: {  	[sflag:s30] =	ssyncset.done $0x0  }
0x51: {  	s1 =	sadd.s32 $0x64080, s1;
	[sflag:s30] =	ssyncadd.s32 $0xFFFFD800  }
0x52: {  	[hbm4b:s1+s24] =	stream.strided.scatter [tilespmem:s28], [sflag:$0x2], $0x2800, s25, s24, $0x38;
	[tilespmem:$0xDE80] =	vst v63  }
0x53: {  	_ =	swait.ge [sflag:s29], $0x2800  }
0x54: {  	[sflag:s29] =	ssyncset.done $0x0  }
0x55: {  	[sflag:s29] =	ssyncadd.s32 $0xFFFFD800  }
0x56: {  	[hbm4b:s11+s24] =	stream.strided.scatter [tilespmem:s26], [sflag:$0x1], $0x2800, s25, s24, $0x38;
	[tilespmem:$0xDE80] =	vst v63  }
0x57: {  	_ =	swait.ge [sflag:s29], $0x2800  }
0x58: {  	[sflag:s29] =	ssyncset.done $0x0  }
0x59: {  	[sflag:s29] =	ssyncadd.s32 $0xFFFFD800  }
0x5a: {  	_ =	swait.ge [sflag:s30], $0x2800  }
0x5b: {  	[sflag:s30] =	ssyncset.done $0x0  }
0x5c: {  	[sflag:s30] =	ssyncadd.s32 $0xFFFFD800  }
0x5d: {  	[tilespmem:s23], [sflag:$0x3] =	stream.linear.gather [hbm4b:s12+s2], $0x8800, $0x38;
	[tilespmem:$0xDE80] =	vst v63  }
0x5e: {  	_ =	swait.ge [sflag:s22], $0x8800  }
0x5f: {  	[sflag:s22] =	ssyncset.done $0x0  }
0x60: {  	[sflag:s22] =	ssyncadd.s32 $0xFFFF7800  }
0x61: {  	[hbm4b:s13+s24] =	stream.strided.scatter [tilespmem:s26], [sflag:$0x1], $0x2800, s25, s24, $0x38;
	[tilespmem:$0xDE80] =	vst v63  }
0x62: {  	_ = 	snop  }
0x63: {  	[hbm4b:s14+s24] =	stream.strided.scatter [tilespmem:s28], [sflag:$0x2], $0x2800, s25, s24, $0x38;
	[tilespmem:$0xDE80] =	vst v63  }
0x64: {  	_ =	swait.ge [sflag:s29], $0x2800  }
0x65: {  	s3 =	sadd.s32 $0xFFFA8000, s21;
	[sflag:s29] =	ssyncset.done $0x0  }
0x66: {  	s0 =	sadd.s32 $0x60100, s3;
	[sflag:s29] =	ssyncadd.s32 $0xFFFFD800  }
0x67: {  	[hbm4b:s0+s24] =	stream.strided.scatter [tilespmem:s26], [sflag:$0x1], $0x2800, s25, s24, $0x38;
	[tilespmem:$0xDE80] =	vst v63  }
0x68: {  	_ =	swait.ge [sflag:s30], $0x2800  }
0x69: {  	[sflag:s30] =	ssyncset.done $0x0  }
0x6a: {  	s1 =	sadd.s32 $0x64100, s3;
	s0 =	simm.s32 $0xFFFB0000;
	[sflag:s30] =	ssyncadd.s32 $0xFFFFD800  }
.LBB2_6:
0x6b: {  	[hbm4b:s1+s24] =	stream.strided.scatter [tilespmem:s28], [sflag:$0x2], $0x2800, s25, s24, $0x38;
	[tilespmem:$0xDE80] =	vst v63  }
0x6c: {  	s1 =	smov.u32 s0  }
0x6d: {  	p0 =	sne.s32 s0, $0xFFFF8000;
	s0 =	sadd.s32 $0x8000, s0;
	_ =	swait.ge [sflag:s29], $0x2800  }
0x6e: {  	s1 =	sadd.s32 s1, s21;
	[sflag:s29] =	ssyncset.done $0x0  }
.Ltmp2:
0x6f: {  	s3 =	sadd.s32 $0x60100, s1;
	[sflag:s29] =	ssyncadd.s32 $0xFFFFD800;
	(pc) =	sbr.rel @p0 .LBB2_6-.Ltmp2, $4  }
0x70: {  	[hbm4b:s3+s24] =	stream.strided.scatter [tilespmem:s26], [sflag:$0x1], $0x2800, s25, s24, $0x38;
	[tilespmem:$0xDE80] =	vst v63  }
0x71: {  	_ =	swait.ge [sflag:s30], $0x2800  }
0x72: {  	[sflag:s30] =	ssyncset.done $0x0  }
0x73: {  	s1 =	sadd.s32 $0x64100, s1;
	[sflag:s30] =	ssyncadd.s32 $0xFFFFD800  }
0x74: {  	[hbm4b:s1+s24] =	stream.strided.scatter [tilespmem:s28], [sflag:$0x2], $0x2800, s25, s24, $0x38;
	[tilespmem:$0xDE80] =	vst v63  }
0x75: {  	_ =	swait.ge [sflag:s29], $0x2800  }
0x76: {  	[sflag:s29] =	ssyncset.done $0x0  }
0x77: {  	[sflag:s29] =	ssyncadd.s32 $0xFFFFD800  }
0x78: {  	[hbm4b:s15+s24] =	stream.strided.scatter [tilespmem:s26], [sflag:$0x1], $0x2800, s25, s24, $0x38;
	[tilespmem:$0xDE80] =	vst v63  }
0x79: {  	_ =	swait.ge [sflag:s29], $0x2800  }
0x7a: {  	[sflag:s29] =	ssyncset.done $0x0  }
0x7b: {  	[sflag:s29] =	ssyncadd.s32 $0xFFFFD800  }
0x7c: {  	_ =	swait.ge [sflag:s30], $0x2800  }
0x7d: {  	[sflag:s30] =	ssyncset.done $0x0  }
0x7e: {  	[sflag:s30] =	ssyncadd.s32 $0xFFFFD800  }
0x7f: {  	[tilespmem:s23], [sflag:$0x3] =	stream.linear.gather [hbm4b:s16+s2], $0x8800, $0x38;
	[tilespmem:$0xDE80] =	vst v63  }
0x80: {  	_ =	swait.ge [sflag:s22], $0x8800  }
0x81: {  	[sflag:s22] =	ssyncset.done $0x0  }
0x82: {  	[sflag:s22] =	ssyncadd.s32 $0xFFFF7800  }
0x83: {  	[hbm4b:s17+s24] =	stream.strided.scatter [tilespmem:s26], [sflag:$0x1], $0x2800, s25, s24, $0x38;
	[tilespmem:$0xDE80] =	vst v63  }
0x84: {  	_ = 	snop  }
0x85: {  	[hbm4b:s18+s24] =	stream.strided.scatter [tilespmem:s28], [sflag:$0x2], $0x2800, s25, s24, $0x38;
	[tilespmem:$0xDE80] =	vst v63  }
0x86: {  	_ =	swait.ge [sflag:s29], $0x2800  }
0x87: {  	s3 =	sadd.s32 $0xFFFA8000, s21;
	[sflag:s29] =	ssyncset.done $0x0  }
0x88: {  	s0 =	sadd.s32 $0x60180, s3;
	[sflag:s29] =	ssyncadd.s32 $0xFFFFD800  }
0x89: {  	[hbm4b:s0+s24] =	stream.strided.scatter [tilespmem:s26], [sflag:$0x1], $0x2800, s25, s24, $0x38;
	[tilespmem:$0xDE80] =	vst v63  }
0x8a: {  	_ =	swait.ge [sflag:s30], $0x2800  }
0x8b: {  	[sflag:s30] =	ssyncset.done $0x0  }
0x8c: {  	s1 =	sadd.s32 $0x64180, s3;
	s0 =	simm.s32 $0xFFFB0000;
	[sflag:s30] =	ssyncadd.s32 $0xFFFFD800  }
.LBB2_8:
0x8d: {  	[hbm4b:s1+s24] =	stream.strided.scatter [tilespmem:s28], [sflag:$0x2], $0x2800, s25, s24, $0x38;
	[tilespmem:$0xDE80] =	vst v63  }
0x8e: {  	s1 =	smov.u32 s0  }
0x8f: {  	p0 =	sne.s32 s0, $0xFFFF8000;
	s0 =	sadd.s32 $0x8000, s0;
	_ =	swait.ge [sflag:s29], $0x2800  }
0x90: {  	s1 =	sadd.s32 s1, s21;
	[sflag:s29] =	ssyncset.done $0x0  }
.Ltmp3:
0x91: {  	s3 =	sadd.s32 $0x60180, s1;
	[sflag:s29] =	ssyncadd.s32 $0xFFFFD800;
	(pc) =	sbr.rel @p0 .LBB2_8-.Ltmp3, $4  }
0x92: {  	[hbm4b:s3+s24] =	stream.strided.scatter [tilespmem:s26], [sflag:$0x1], $0x2800, s25, s24, $0x38;
	[tilespmem:$0xDE80] =	vst v63  }
0x93: {  	_ =	swait.ge [sflag:s30], $0x2800  }
0x94: {  	[sflag:s30] =	ssyncset.done $0x0  }
0x95: {  	s1 =	sadd.s32 $0x64180, s1;
	[sflag:s30] =	ssyncadd.s32 $0xFFFFD800  }
0x96: {  	[hbm4b:s1+s24] =	stream.strided.scatter [tilespmem:s28], [sflag:$0x2], $0x2800, s25, s24, $0x38;
	[tilespmem:$0xDE80] =	vst v63  }
0x97: {  	_ =	swait.ge [sflag:s29], $0x2800  }
0x98: {  	[sflag:s29] =	ssyncset.done $0x0  }
0x99: {  	s31 =	sadd.s32 $0x1, s31;
	[sflag:s29] =	ssyncadd.s32 $0xFFFFD800  }
0x9a: {  	[hbm4b:s19+s24] =	stream.strided.scatter [tilespmem:s26], [sflag:$0x1], $0x2800, s25, s24, $0x38;
	[tilespmem:$0xDE80] =	vst v63  }
0x9b: {  	p0 =	sne.s32 s31, s20;
	_ =	swait.ge [sflag:s29], $0x2800  }
.Ltmp4:
0x9c: {  	[sflag:s29] =	ssyncset.done $0x0;
	(pc) =	sbr.rel @p0 .LBB2_1-.Ltmp4, $4  }
0x9d: {  	[sflag:s29] =	ssyncadd.s32 $0xFFFFD800  }
0x9e: {  	_ =	swait.ge [sflag:s30], $0x2800  }
0x9f: {  	[sflag:s30] =	ssyncset.done $0x0  }
0xa0: {  	[sflag:s30] =	ssyncadd.s32 $0xFFFFD800  }
0xa1: {  	_ =	sfence.sel $0x180000  }
0xa2: {  	[bflag:$0x0] =	sbarrier.arrive $0xFFFF  }
0xa3: {  	_ =	strace $0x90000047  }
0xa4: {  	s0 =	stileid.u32;
	[bflag:$0x2] =	sbarrier.arrive $0xFFFF  }
0xa5: {  	p0 =	sne.s32 s0, $0x0;
	s0 =	rddreg [dreg:$0x2]  }
0xa6: {  	s0 =	sadd.s32 @!p0 $0x100000, s0  }
0xa7: {  	[sflag:s0] =	ssyncadd.tile.s32 @!p0 $0x1;
	_ =	shalt  }
.Lfunc_end2:
_tile_overlayer_lowered:
.L_overlay_start_2:
0xa8: {  	(tag) =	ssettag $0x2  }
0xa9: {  	s0 =	rddreg [dreg:$0x0];
	s2 =	stileid.u32  }
0xaa: {  	s1 =	rddreg [dreg:$0x1];
	p0 =	sne.s32 s2, $0x0  }
0xab: {  	s3 =	rddreg [dreg:$0x2];
	[bflag:$0x3] =	sbarrier.arrive $0xFFFF;
	s2 =	simm.s32 @!p0 $0x1C03  }
0xac: {  	[timem:s3], [sflag:s2] =	dma.local @!p0 [hbm:s0], s1  }
0xad: {  	s0 =	simm.s32 @!p0 $0x3  }
0xae: {  	_ =	swait.ge @!p0 [sflag:s0], s1  }
0xaf: {  	s1 =	ssub.s32 @!p0 $0x0, s1;
	[sflag:s0] =	ssyncset.done @!p0 $0x0  }
0xb0: {  	[sflag:s0] =	ssyncadd.s32 @!p0 s1  }
0xb1: {  	[bflag:$0x3] =	sbarrier.arrive $0xFFFF  }
0xb2: {  	_ =	shalt  }

</sc_bundles>
